<compile_context>
chip_gen: v7x
topology: tpu7x:2x2x1
jax: 0.10.2.dev20260603
libtpu: 0.0.44.dev20260713+nightly
codegen_flags: <defaults>
</compile_context>

<pallas_src>
import functools

import jax
import jax.numpy as jnp
from jax import lax
from jax.experimental import pallas as pl
from jax.experimental.pallas import tpu as pltpu
from jax.experimental.pallas import tpu_sc as plsc

_D = 128
_VOCAB = 1000
_BASE = 10000.0
_PITCH_SIZE = 128
_BAR_ID = 128
_POS_START, _POS_SIZE = 129, 32
_B, _T = 4096, 200
_EXT = 1208

_NC, _NS = 2, 16
_NW = _NC * _NS
_CHUNK = 128
_IDX_ROWS = _B * _T // _CHUNK
_S_ROWS = 1536
_ROWS_PER_TILE = (_IDX_ROWS - _S_ROWS) // _NW


def _table_body(tw_ref, pb_ref, qb_ref, bb_ref, out_ref):
    r = lax.broadcasted_iota(jnp.int32, (_EXT, _D), 0)
    d = lax.broadcasted_iota(jnp.int32, (_EXT, _D), 1)
    k = (d // 2).astype(jnp.float32)
    f = jnp.exp(k * jnp.float32(-2.0 / _D) * jnp.log(jnp.float32(_BASE)))
    is_pitch = r < _PITCH_SIZE
    is_pos = (r >= _POS_START) & (r < _POS_START + _POS_SIZE)
    n = jnp.where(is_pitch, r,
                  jnp.where(is_pos, r - _POS_START, r - _VOCAB)).astype(jnp.float32)
    ang = n * f
    even = (d % 2) == 0
    bias = jnp.where(is_pitch, pb_ref[...],
                     jnp.where(is_pos, qb_ref[...], bb_ref[...]))
    val = jnp.where(even, jnp.sin(ang), jnp.cos(ang)) + bias
    is_fme = is_pitch | is_pos
    out_ref[0:_VOCAB, :] = jnp.where(is_fme[0:_VOCAB, :], val[0:_VOCAB, :],
                                     tw_ref[...])
    out_ref[_VOCAB:_EXT, :] = val[_VOCAB:_EXT, :]


def _build_table(token_weight, pitch_bias, pos_bias, bar_bias):
    return pl.pallas_call(
        _table_body,
        out_shape=jax.ShapeDtypeStruct((_EXT, _D), jnp.float32),
    )(token_weight, pitch_bias, pos_bias, bar_bias)


def _eff_body(idx_ref, out_ref):
    x = idx_ref[...]
    bar = x == _BAR_ID
    barf = bar.astype(jnp.float32)
    ti = lax.broadcasted_iota(jnp.int32, (_T, _T), 0)
    tj = lax.broadcasted_iota(jnp.int32, (_T, _T), 1)
    tril = (ti <= tj).astype(jnp.float32)
    csum = lax.dot(barf, tril, preferred_element_type=jnp.float32)
    bar_val = jnp.maximum(csum.astype(jnp.int32) - 1, 0)
    out_ref[...] = jnp.where(bar, _VOCAB + bar_val, jnp.clip(x, 0, _VOCAB - 1))


def _eff_idx(idx):
    blk = 256
    return pl.pallas_call(
        _eff_body,
        grid=(_B // blk,),
        in_specs=[pl.BlockSpec((blk, _T), lambda i: (i, 0))],
        out_specs=pl.BlockSpec((blk, _T), lambda i: (i, 0)),
        out_shape=jax.ShapeDtypeStruct((_B, _T), jnp.int32),
    )(idx)


_G = 3
_NGRP = -(-_ROWS_PER_TILE // _G)


def _sc_gather(table, idx2d):
    mesh = plsc.VectorSubcoreMesh(core_axis_name="c", subcore_axis_name="s")

    @functools.partial(
        pl.kernel,
        out_type=jax.ShapeDtypeStruct((_B * _T, _D), jnp.float32),
        mesh=mesh,
        scratch_types=[
            pltpu.VMEM((_ROWS_PER_TILE, _CHUNK), jnp.int32),
            pltpu.VMEM((2 * _G, _CHUNK, _D), jnp.float32),
            pltpu.SemaphoreType.DMA,
            pltpu.SemaphoreType.DMA,
            pltpu.SemaphoreType.DMA,
            pltpu.SemaphoreType.DMA,
        ],
    )
    def k(table_hbm, idx_hbm, out_hbm, idx_v, rows_v, sg0, sg1, ss0, ss1):
        wid = lax.axis_index("s") * _NC + lax.axis_index("c")
        row_base = _S_ROWS + wid * _ROWS_PER_TILE
        tok_base = row_base * _CHUNK
        pltpu.sync_copy(idx_hbm.at[pl.ds(row_base, _ROWS_PER_TILE)], idx_v)

        def gathers(g, half, sem, start):
            for j in range(_G):
                c = _G * g + j

                @pl.when(c < _ROWS_PER_TILE)
                def _():
                    cp = pltpu.make_async_copy(
                        table_hbm.at[idx_v.at[c]], rows_v.at[half * _G + j],
                        sem)
                    cp.start() if start else cp.wait()

        def scatters(g, half, sem, start):
            for j in range(_G):
                c = _G * g + j

                @pl.when(c < _ROWS_PER_TILE)
                def _():
                    cp = pltpu.make_async_copy(
                        rows_v.at[half * _G + j],
                        out_hbm.at[pl.ds(tok_base + c * _CHUNK, _CHUNK)], sem)
                    cp.start() if start else cp.wait()

        gathers(0, 0, sg0, True)

        def body(i, carry):
            ga = 2 * i
            gb = 2 * i + 1
            gathers(ga, 0, sg0, False)
            scatters(ga, 0, ss0, True)

            @pl.when(i >= 1)
            def _():
                scatters(ga - 1, 1, ss1, False)

            @pl.when(gb < _NGRP)
            def _():
                gathers(gb, 1, sg1, True)
                gathers(gb, 1, sg1, False)
                scatters(gb, 1, ss1, True)

            scatters(ga, 0, ss0, False)

            @pl.when(ga + 2 < _NGRP)
            def _():
                gathers(ga + 2, 0, sg0, True)

            return carry

        lax.fori_loop(0, (_NGRP + 1) // 2, body, 0)
        if _NGRP % 2 == 0:
            scatters(_NGRP - 1, 1, ss1, False)

    return k(table, idx2d)


def _bf16_body(tbl_ref, out_ref):
    out_ref[...] = tbl_ref[...].astype(jnp.bfloat16)


def _to_bf16(table):
    return pl.pallas_call(
        _bf16_body,
        out_shape=jax.ShapeDtypeStruct((_EXT, _D), jnp.bfloat16),
    )(table)


_TC_SUB = 8


def _tc_body(eff_ref, tbl_ref, out_ref):
    tbl = tbl_ref[...]
    v = lax.broadcasted_iota(jnp.int32, (_EXT, _CHUNK), 0)
    for r in range(_TC_SUB):
        oh = (v == eff_ref[r:r + 1, :]).astype(jnp.bfloat16)
        out_ref[r * _CHUNK:(r + 1) * _CHUNK, :] = lax.dot_general(
            oh, tbl, (((0,), (0,)), ((), ())),
            preferred_element_type=jnp.float32)


def _tc_gather(eff2d, tbl16):
    return pl.pallas_call(
        _tc_body,
        grid=(_S_ROWS // _TC_SUB,),
        in_specs=[
            pl.BlockSpec((_TC_SUB, _CHUNK), lambda i: (i, 0)),
            pl.BlockSpec((_EXT, _D), lambda i: (0, 0)),
        ],
        out_specs=pl.BlockSpec((_TC_SUB * _CHUNK, _D), lambda i: (i, 0)),
        out_shape=jax.ShapeDtypeStruct((_S_ROWS * _CHUNK, _D), jnp.float32),
    )(eff2d, tbl16)


def kernel(idx, token_weight, pitch_bias, pos_bias, bar_bias):
    idx = idx.astype(jnp.int32)
    table = _build_table(token_weight,
                         pitch_bias.reshape(1, _D),
                         pos_bias.reshape(1, _D),
                         bar_bias.reshape(1, _D))
    eff = _eff_idx(idx)
    idx2d = eff.reshape(_IDX_ROWS, _CHUNK)
    tbl16 = _to_bf16(table)
    sc_out = _sc_gather(table, idx2d)
    tc_out = _tc_gather(idx2d, tbl16)
    out = lax.dynamic_update_slice(sc_out, tc_out, (0, 0))
    return out.reshape(_B, _T, _D)

# --- scband reference (transcript-rebuilt; emitter-appended) ---
"""Pipeline reference for scband-music-embed-26920855011821 (READ-ONLY COPY).

The authoritative reference and input builder live on the scoring server;
editing this copy changes nothing except your own understanding.
"""

import jax, jax.numpy as jnp
import numpy as np

D_MODEL = 128
VOCAB = 1000
BASE = 10000.0
PITCH_START, PITCH_SIZE = 0, 128
BAR_START, BAR_SIZE = 128, 1
POS_START, POS_SIZE = 129, 32
B, T = 4096, 200


def _freqs():
    k = jnp.arange(D_MODEL // 2, dtype=jnp.float32)
    return jnp.power(jnp.float32(BASE), -2.0 * k / float(D_MODEL))


def _sincos_table(n):
    f = _freqs()
    vals = jnp.arange(n, dtype=jnp.float32)
    ang = vals[:, None] * f[None, :]
    # even dims = sin, odd dims = cos (interleaved)
    return jnp.stack([jnp.sin(ang), jnp.cos(ang)], axis=-1).reshape(n, D_MODEL)


def setup_inputs(seed: int = 0) -> dict:
    key = jax.random.key(seed)
    k1, k2 = jax.random.split(key)
    idx = jax.random.randint(k1, (B, T), 0, VOCAB, dtype=jnp.int32)
    token_weight = jax.random.normal(k2, (VOCAB, D_MODEL), dtype=jnp.float32)
    pitch_bias = jnp.zeros((D_MODEL,), dtype=jnp.float32)
    pos_bias = jnp.zeros((D_MODEL,), dtype=jnp.float32)
    bar_bias = jnp.zeros((D_MODEL,), dtype=jnp.float32)
    return {"idx": idx, "token_weight": token_weight, "pitch_bias": pitch_bias,
            "pos_bias": pos_bias, "bar_bias": bar_bias}


def reference(idx, token_weight, pitch_bias, pos_bias, bar_bias):
    idx = idx.astype(jnp.int32)
    pitch_mask = (idx >= PITCH_START) & (idx < PITCH_START + PITCH_SIZE)
    pos_mask = (idx >= POS_START) & (idx < POS_START + POS_SIZE)
    bar_mask = (idx >= BAR_START) & (idx < BAR_START + BAR_SIZE)

    freqs = _freqs()
    pitch_table = _sincos_table(PITCH_SIZE)
    pos_table = _sincos_table(POS_SIZE)

    # pitch FME (cached table lookup + learnable bias)
    pitch_val = jnp.clip(idx - PITCH_START, 0, PITCH_SIZE - 1)
    pitch_emb = jnp.take(pitch_table, pitch_val, axis=0) + pitch_bias

    # pos FME (cached table lookup + learnable bias)
    pos_val = jnp.clip(idx - POS_START, 0, POS_SIZE - 1)
    pos_emb = jnp.take(pos_table, pos_val, axis=0) + pos_bias

    # bar FME: bar_size == 1 -> cumsum of bar token occurrences gives absolute bar index
    bar_index = jnp.cumsum(bar_mask.astype(jnp.int32), axis=1) - 1
    bar_val = jnp.maximum(bar_index, 0).astype(jnp.float32)
    ang = bar_val[..., None] * freqs
    bar_emb = jnp.stack([jnp.sin(ang), jnp.cos(ang)], axis=-1).reshape(idx.shape[0], idx.shape[1], D_MODEL) + bar_bias

    # plain token embedding for everything else
    tok_emb = jnp.take(token_weight, idx, axis=0)

    out = jnp.where(pitch_mask[..., None], pitch_emb,
          jnp.where(pos_mask[..., None], pos_emb,
          jnp.where(bar_mask[..., None], bar_emb, tok_emb)))
    return out

if __name__ == "__main__":
    import jax
    _d = setup_inputs()
    print(jax.jit(kernel)(*tuple(_d.values())))

</pallas_src>

<mosaic_0001>
#map = affine_map<(d0, d1) -> (0, 0)>
module attributes {stable_mosaic.version = 14 : i64} {
  func.func @k(%arg0: i32, %arg1: i32, %arg2: memref<1208x128xf32, #tpu.memory_space<hbm>>, %arg3: memref<6400x128xi32, #tpu.memory_space<hbm>>, %arg4: memref<819200x128xf32, #tpu.memory_space<hbm>>, %arg5: memref<152x128xi32, #tpu.memory_space<vmem>>, %arg6: memref<6x128x128xf32, #tpu.memory_space<vmem>>, %arg7: memref<!tpu.dma_semaphore, #tpu.memory_space<semaphore_mem>>, %arg8: memref<!tpu.dma_semaphore, #tpu.memory_space<semaphore_mem>>, %arg9: memref<!tpu.dma_semaphore, #tpu.memory_space<semaphore_mem>>, %arg10: memref<!tpu.dma_semaphore, #tpu.memory_space<semaphore_mem>>) attributes {dimension_semantics = [#tpu.dimension_semantics<core_parallel>, #tpu.dimension_semantics<subcore_parallel>], iteration_bounds = array<i64: 2, 16>, scalar_prefetch = 0 : i64, scratch_operands = 6 : i64, tpu.core_type = #tpu.core_type<sc_vector_subcore>, window_params = [{transform_indices = #map}, {transform_indices = #map}, {transform_indices = #map}]} {
    %mul3A = arith.constant 2 : i32
    %mul3A_0 = arith.muli %arg1, %mul3A : i32
    %add3A = arith.addi %mul3A_0, %arg0 : i32
    %mul3A_1 = arith.constant 152 : i32
    %mul3A_2 = arith.muli %add3A, %mul3A_1 : i32
    %add3A_3 = arith.constant 1536 : i32
    %add3A_4 = arith.addi %add3A_3, %mul3A_2 : i32
    %mul3A_5 = arith.constant 128 : i32
    %mul3A_6 = arith.muli %add3A_4, %mul3A_5 : i32
    "tpu.region"() ({
      %run_scoped3A = tpu.sem_alloc : memref<!tpu.dma_semaphore, #tpu.memory_space<semaphore_mem>>
      %dma_start3A_47 = arith.constant 0 : i32
      %dma_start3A_48 = tpu.memref_slice %arg3[%add3A_4, %dma_start3A_47] : memref<6400x128xi32, #tpu.memory_space<hbm>> -> memref<152x128xi32, #tpu.memory_space<hbm>>
      %dma_start3A_49 = arith.constant 0 : i32
      %dma_start3A_50 = tpu.memref_slice %arg3[%add3A_4, %dma_start3A_49] : memref<6400x128xi32, #tpu.memory_space<hbm>> -> memref<152x128xi32, #tpu.memory_space<hbm>>
      tpu.enqueue_dma source(%dma_start3A_50 : memref<152x128xi32, #tpu.memory_space<hbm>>) target(%arg5 : memref<152x128xi32, #tpu.memory_space<vmem>>) target_semaphore(%run_scoped3A : memref<!tpu.dma_semaphore, #tpu.memory_space<semaphore_mem>>)
      %dma_wait3A = arith.constant 0 : i32
      %dma_wait3A_51 = tpu.memref_slice %arg3[%add3A_4, %dma_wait3A] : memref<6400x128xi32, #tpu.memory_space<hbm>> -> memref<152x128xi32, #tpu.memory_space<hbm>>
      %dma_wait3A_52 = arith.constant 0 : i32
      %dma_wait3A_53 = tpu.memref_slice %arg3[%add3A_4, %dma_wait3A_52] : memref<6400x128xi32, #tpu.memory_space<hbm>> -> memref<152x128xi32, #tpu.memory_space<hbm>>
      tpu.wait_dma2 semaphore(%run_scoped3A : memref<!tpu.dma_semaphore, #tpu.memory_space<semaphore_mem>>) src(%dma_wait3A_53 : memref<152x128xi32, #tpu.memory_space<hbm>>) dst(%arg5 : memref<152x128xi32, #tpu.memory_space<vmem>>)
      tpu.yield
    }) : () -> ()
    %dma_start3A = arith.constant 0 : i32
    %dma_start3A_7 = arith.constant 0 : i32
    %dma_start3A_8 = arith.constant 0 : i32
    %dma_start3A_9 = arith.constant 0 : i32
    %dma_start3A_10 = tpu.memref_slice %arg6[%dma_start3A_7, %dma_start3A_8, %dma_start3A_9] : memref<6x128x128xf32, #tpu.memory_space<vmem>> -> memref<1x128x128xf32, #tpu.memory_space<vmem>>
    %dma_start3A_11 = tpu.memref_squeeze %dma_start3A_10 : memref<1x128x128xf32, #tpu.memory_space<vmem>> -> memref<128x128xf32, #tpu.memory_space<vmem>>
    %dma_start3A_12 = arith.constant 0 : i32
    %dma_start3A_13 = tpu.memref_slice %arg5[%dma_start3A, %dma_start3A_12] : memref<152x128xi32, #tpu.memory_space<vmem>> -> memref<1x128xi32, #tpu.memory_space<vmem>>
    %dma_start3A_14 = tpu.memref_squeeze %dma_start3A_13 : memref<1x128xi32, #tpu.memory_space<vmem>> -> memref<128xi32, #tpu.memory_space<vmem>>
    %dma_start3A_15 = arith.constant 0 : i32
    %dma_start3A_16 = arith.constant 0 : i32
    %dma_start3A_17 = tpu.memref_slice %arg2[%dma_start3A_15, %dma_start3A_16] : memref<1208x128xf32, #tpu.memory_space<hbm>> -> memref<1208x128xf32, #tpu.memory_space<hbm>>
    tpu.enqueue_indirect_dma source(%dma_start3A_17 : memref<1208x128xf32, #tpu.memory_space<hbm>>) target(%dma_start3A_11 : memref<128x128xf32, #tpu.memory_space<vmem>>) offsets(%dma_start3A_14 : memref<128xi32, #tpu.memory_space<vmem>>) semaphore(%arg7 : memref<!tpu.dma_semaphore, #tpu.memory_space<semaphore_mem>>)
    %dma_start3A_18 = arith.constant 1 : i32
    %dma_start3A_19 = arith.constant 1 : i32
    %dma_start3A_20 = arith.constant 0 : i32
    %dma_start3A_21 = arith.constant 0 : i32
    %dma_start3A_22 = tpu.memref_slice %arg6[%dma_start3A_19, %dma_start3A_20, %dma_start3A_21] : memref<6x128x128xf32, #tpu.memory_space<vmem>> -> memref<1x128x128xf32, #tpu.memory_space<vmem>>
    %dma_start3A_23 = tpu.memref_squeeze %dma_start3A_22 : memref<1x128x128xf32, #tpu.memory_space<vmem>> -> memref<128x128xf32, #tpu.memory_space<vmem>>
    %dma_start3A_24 = arith.constant 0 : i32
    %dma_start3A_25 = tpu.memref_slice %arg5[%dma_start3A_18, %dma_start3A_24] : memref<152x128xi32, #tpu.memory_space<vmem>> -> memref<1x128xi32, #tpu.memory_space<vmem>>
    %dma_start3A_26 = tpu.memref_squeeze %dma_start3A_25 : memref<1x128xi32, #tpu.memory_space<vmem>> -> memref<128xi32, #tpu.memory_space<vmem>>
    %dma_start3A_27 = arith.constant 0 : i32
    %dma_start3A_28 = arith.constant 0 : i32
    %dma_start3A_29 = tpu.memref_slice %arg2[%dma_start3A_27, %dma_start3A_28] : memref<1208x128xf32, #tpu.memory_space<hbm>> -> memref<1208x128xf32, #tpu.memory_space<hbm>>
    tpu.enqueue_indirect_dma source(%dma_start3A_29 : memref<1208x128xf32, #tpu.memory_space<hbm>>) target(%dma_start3A_23 : memref<128x128xf32, #tpu.memory_space<vmem>>) offsets(%dma_start3A_26 : memref<128xi32, #tpu.memory_space<vmem>>) semaphore(%arg7 : memref<!tpu.dma_semaphore, #tpu.memory_space<semaphore_mem>>)
    %dma_start3A_30 = arith.constant 2 : i32
    %dma_start3A_31 = arith.constant 2 : i32
    %dma_start3A_32 = arith.constant 0 : i32
    %dma_start3A_33 = arith.constant 0 : i32
    %dma_start3A_34 = tpu.memref_slice %arg6[%dma_start3A_31, %dma_start3A_32, %dma_start3A_33] : memref<6x128x128xf32, #tpu.memory_space<vmem>> -> memref<1x128x128xf32, #tpu.memory_space<vmem>>
    %dma_start3A_35 = tpu.memref_squeeze %dma_start3A_34 : memref<1x128x128xf32, #tpu.memory_space<vmem>> -> memref<128x128xf32, #tpu.memory_space<vmem>>
    %dma_start3A_36 = arith.constant 0 : i32
    %dma_start3A_37 = tpu.memref_slice %arg5[%dma_start3A_30, %dma_start3A_36] : memref<152x128xi32, #tpu.memory_space<vmem>> -> memref<1x128xi32, #tpu.memory_space<vmem>>
    %dma_start3A_38 = tpu.memref_squeeze %dma_start3A_37 : memref<1x128xi32, #tpu.memory_space<vmem>> -> memref<128xi32, #tpu.memory_space<vmem>>
    %dma_start3A_39 = arith.constant 0 : i32
    %dma_start3A_40 = arith.constant 0 : i32
    %dma_start3A_41 = tpu.memref_slice %arg2[%dma_start3A_39, %dma_start3A_40] : memref<1208x128xf32, #tpu.memory_space<hbm>> -> memref<1208x128xf32, #tpu.memory_space<hbm>>
    tpu.enqueue_indirect_dma source(%dma_start3A_41 : memref<1208x128xf32, #tpu.memory_space<hbm>>) target(%dma_start3A_35 : memref<128x128xf32, #tpu.memory_space<vmem>>) offsets(%dma_start3A_38 : memref<128xi32, #tpu.memory_space<vmem>>) semaphore(%arg7 : memref<!tpu.dma_semaphore, #tpu.memory_space<semaphore_mem>>)
    %scan3A = arith.constant 0 : i32
    %scan3A_42 = arith.constant 0 : i32
    %scan3A_43 = arith.constant 26 : i32
    %scan3A_44 = arith.addi %scan3A_42, %scan3A_43 : i32
    %scan3A_45 = arith.constant 1 : i32
    scf.for %scan3A_47 = %scan3A_42 to %scan3A_44 step %scan3A_45  : i32 {
      %mul3A_48 = arith.constant 2 : i32
      %mul3A_49 = arith.muli %mul3A_48, %scan3A_47 : i32
      %mul3A_50 = arith.constant 2 : i32
      %mul3A_51 = arith.muli %mul3A_50, %scan3A_47 : i32
      %add3A_52 = arith.constant 1 : i32
      %add3A_53 = arith.addi %mul3A_51, %add3A_52 : i32
      %mul3A_54 = arith.constant 3 : i32
      %mul3A_55 = arith.muli %mul3A_54, %mul3A_49 : i32
      %add3A_56 = arith.constant 0 : i32
      %add3A_57 = arith.addi %mul3A_55, %add3A_56 : i32
      %lt3A = arith.constant 152 : i32
      %lt3A_58 = arith.cmpi slt, %add3A_57, %lt3A : i32
      %convert_element_type3A = arith.extui %lt3A_58 : i1 to i32
      %cond3A = arith.constant 0 : i32
      %cond3A_59 = arith.cmpi ne, %convert_element_type3A, %cond3A : i32
      scf.if %cond3A_59 {
        %dma_wait3A = arith.constant 0 : i32
        %dma_wait3A_148 = arith.constant 0 : i32
        %dma_wait3A_149 = arith.constant 0 : i32
        %dma_wait3A_150 = tpu.memref_slice %arg6[%dma_wait3A, %dma_wait3A_148, %dma_wait3A_149] : memref<6x128x128xf32, #tpu.memory_space<vmem>> -> memref<1x128x128xf32, #tpu.memory_space<vmem>>
        %dma_wait3A_151 = tpu.memref_squeeze %dma_wait3A_150 : memref<1x128x128xf32, #tpu.memory_space<vmem>> -> memref<128x128xf32, #tpu.memory_space<vmem>>
        %dma_wait3A_152 = arith.constant 0 : i32
        %dma_wait3A_153 = tpu.memref_slice %arg5[%add3A_57, %dma_wait3A_152] : memref<152x128xi32, #tpu.memory_space<vmem>> -> memref<1x128xi32, #tpu.memory_space<vmem>>
        %dma_wait3A_154 = tpu.memref_squeeze %dma_wait3A_153 : memref<1x128xi32, #tpu.memory_space<vmem>> -> memref<128xi32, #tpu.memory_space<vmem>>
        %dma_wait3A_155 = arith.constant 0 : i32
        %dma_wait3A_156 = arith.constant 0 : i32
        %dma_wait3A_157 = tpu.memref_slice %arg2[%dma_wait3A_155, %dma_wait3A_156] : memref<1208x128xf32, #tpu.memory_space<hbm>> -> memref<1208x128xf32, #tpu.memory_space<hbm>>
        tpu.wait_indirect_dma semaphore(%arg7 : memref<!tpu.dma_semaphore, #tpu.memory_space<semaphore_mem>>) src(%dma_wait3A_157 : memref<1208x128xf32, #tpu.memory_space<hbm>>) dst(%dma_wait3A_151 : memref<128x128xf32, #tpu.memory_space<vmem>>)
      } else {
      }
      %mul3A_60 = arith.constant 3 : i32
      %mul3A_61 = arith.muli %mul3A_60, %mul3A_49 : i32
      %add3A_62 = arith.constant 1 : i32
      %add3A_63 = arith.addi %mul3A_61, %add3A_62 : i32
      %lt3A_64 = arith.constant 152 : i32
      %lt3A_65 = arith.cmpi slt, %add3A_63, %lt3A_64 : i32
      %convert_element_type3A_66 = arith.extui %lt3A_65 : i1 to i32
      %cond3A_67 = arith.constant 0 : i32
      %cond3A_68 = arith.cmpi ne, %convert_element_type3A_66, %cond3A_67 : i32
      scf.if %cond3A_68 {
        %dma_wait3A = arith.constant 1 : i32
        %dma_wait3A_148 = arith.constant 0 : i32
        %dma_wait3A_149 = arith.constant 0 : i32
        %dma_wait3A_150 = tpu.memref_slice %arg6[%dma_wait3A, %dma_wait3A_148, %dma_wait3A_149] : memref<6x128x128xf32, #tpu.memory_space<vmem>> -> memref<1x128x128xf32, #tpu.memory_space<vmem>>
        %dma_wait3A_151 = tpu.memref_squeeze %dma_wait3A_150 : memref<1x128x128xf32, #tpu.memory_space<vmem>> -> memref<128x128xf32, #tpu.memory_space<vmem>>
        %dma_wait3A_152 = arith.constant 0 : i32
        %dma_wait3A_153 = tpu.memref_slice %arg5[%add3A_63, %dma_wait3A_152] : memref<152x128xi32, #tpu.memory_space<vmem>> -> memref<1x128xi32, #tpu.memory_space<vmem>>
        %dma_wait3A_154 = tpu.memref_squeeze %dma_wait3A_153 : memref<1x128xi32, #tpu.memory_space<vmem>> -> memref<128xi32, #tpu.memory_space<vmem>>
        %dma_wait3A_155 = arith.constant 0 : i32
        %dma_wait3A_156 = arith.constant 0 : i32
        %dma_wait3A_157 = tpu.memref_slice %arg2[%dma_wait3A_155, %dma_wait3A_156] : memref<1208x128xf32, #tpu.memory_space<hbm>> -> memref<1208x128xf32, #tpu.memory_space<hbm>>
        tpu.wait_indirect_dma semaphore(%arg7 : memref<!tpu.dma_semaphore, #tpu.memory_space<semaphore_mem>>) src(%dma_wait3A_157 : memref<1208x128xf32, #tpu.memory_space<hbm>>) dst(%dma_wait3A_151 : memref<128x128xf32, #tpu.memory_space<vmem>>)
      } else {
      }
      %mul3A_69 = arith.constant 3 : i32
      %mul3A_70 = arith.muli %mul3A_69, %mul3A_49 : i32
      %add3A_71 = arith.constant 2 : i32
      %add3A_72 = arith.addi %mul3A_70, %add3A_71 : i32
      %lt3A_73 = arith.constant 152 : i32
      %lt3A_74 = arith.cmpi slt, %add3A_72, %lt3A_73 : i32
      %convert_element_type3A_75 = arith.extui %lt3A_74 : i1 to i32
      %cond3A_76 = arith.constant 0 : i32
      %cond3A_77 = arith.cmpi ne, %convert_element_type3A_75, %cond3A_76 : i32
      scf.if %cond3A_77 {
        %dma_wait3A = arith.constant 2 : i32
        %dma_wait3A_148 = arith.constant 0 : i32
        %dma_wait3A_149 = arith.constant 0 : i32
        %dma_wait3A_150 = tpu.memref_slice %arg6[%dma_wait3A, %dma_wait3A_148, %dma_wait3A_149] : memref<6x128x128xf32, #tpu.memory_space<vmem>> -> memref<1x128x128xf32, #tpu.memory_space<vmem>>
        %dma_wait3A_151 = tpu.memref_squeeze %dma_wait3A_150 : memref<1x128x128xf32, #tpu.memory_space<vmem>> -> memref<128x128xf32, #tpu.memory_space<vmem>>
        %dma_wait3A_152 = arith.constant 0 : i32
        %dma_wait3A_153 = tpu.memref_slice %arg5[%add3A_72, %dma_wait3A_152] : memref<152x128xi32, #tpu.memory_space<vmem>> -> memref<1x128xi32, #tpu.memory_space<vmem>>
        %dma_wait3A_154 = tpu.memref_squeeze %dma_wait3A_153 : memref<1x128xi32, #tpu.memory_space<vmem>> -> memref<128xi32, #tpu.memory_space<vmem>>
        %dma_wait3A_155 = arith.constant 0 : i32
        %dma_wait3A_156 = arith.constant 0 : i32
        %dma_wait3A_157 = tpu.memref_slice %arg2[%dma_wait3A_155, %dma_wait3A_156] : memref<1208x128xf32, #tpu.memory_space<hbm>> -> memref<1208x128xf32, #tpu.memory_space<hbm>>
        tpu.wait_indirect_dma semaphore(%arg7 : memref<!tpu.dma_semaphore, #tpu.memory_space<semaphore_mem>>) src(%dma_wait3A_157 : memref<1208x128xf32, #tpu.memory_space<hbm>>) dst(%dma_wait3A_151 : memref<128x128xf32, #tpu.memory_space<vmem>>)
      } else {
      }
      %mul3A_78 = arith.constant 3 : i32
      %mul3A_79 = arith.muli %mul3A_78, %mul3A_49 : i32
      %add3A_80 = arith.constant 0 : i32
      %add3A_81 = arith.addi %mul3A_79, %add3A_80 : i32
      %lt3A_82 = arith.constant 152 : i32
      %lt3A_83 = arith.cmpi slt, %add3A_81, %lt3A_82 : i32
      %convert_element_type3A_84 = arith.extui %lt3A_83 : i1 to i32
      %cond3A_85 = arith.constant 0 : i32
      %cond3A_86 = arith.cmpi ne, %convert_element_type3A_84, %cond3A_85 : i32
      scf.if %cond3A_86 {
        %mul3A_148 = arith.constant 128 : i32
        %mul3A_149 = arith.muli %add3A_81, %mul3A_148 : i32
        %add3A_150 = arith.addi %mul3A_6, %mul3A_149 : i32
        %dma_start3A_151 = arith.constant 0 : i32
        %dma_start3A_152 = arith.constant 0 : i32
        %dma_start3A_153 = arith.constant 0 : i32
        %dma_start3A_154 = tpu.memref_slice %arg6[%dma_start3A_151, %dma_start3A_152, %dma_start3A_153] : memref<6x128x128xf32, #tpu.memory_space<vmem>> -> memref<1x128x128xf32, #tpu.memory_space<vmem>>
        %dma_start3A_155 = tpu.memref_squeeze %dma_start3A_154 : memref<1x128x128xf32, #tpu.memory_space<vmem>> -> memref<128x128xf32, #tpu.memory_space<vmem>>
        %dma_start3A_156 = arith.constant 0 : i32
        %dma_start3A_157 = tpu.memref_slice %arg4[%add3A_150, %dma_start3A_156] : memref<819200x128xf32, #tpu.memory_space<hbm>> -> memref<128x128xf32, #tpu.memory_space<hbm>>
        %dma_start3A_158 = arith.constant 0 : i32
        %dma_start3A_159 = tpu.memref_slice %arg4[%add3A_150, %dma_start3A_158] : memref<819200x128xf32, #tpu.memory_space<hbm>> -> memref<128x128xf32, #tpu.memory_space<hbm>>
        %dma_start3A_160 = arith.constant 0 : i32
        %dma_start3A_161 = arith.constant 0 : i32
        %dma_start3A_162 = tpu.memref_slice %arg6[%dma_start3A_151, %dma_start3A_160, %dma_start3A_161] : memref<6x128x128xf32, #tpu.memory_space<vmem>> -> memref<1x128x128xf32, #tpu.memory_space<vmem>>
        %dma_start3A_163 = tpu.memref_squeeze %dma_start3A_162 : memref<1x128x128xf32, #tpu.memory_space<vmem>> -> memref<128x128xf32, #tpu.memory_space<vmem>>
        tpu.enqueue_dma source(%dma_start3A_163 : memref<128x128xf32, #tpu.memory_space<vmem>>) target(%dma_start3A_159 : memref<128x128xf32, #tpu.memory_space<hbm>>) target_semaphore(%arg9 : memref<!tpu.dma_semaphore, #tpu.memory_space<semaphore_mem>>)
      } else {
      }
      %mul3A_87 = arith.constant 3 : i32
      %mul3A_88 = arith.muli %mul3A_87, %mul3A_49 : i32
      %add3A_89 = arith.constant 1 : i32
      %add3A_90 = arith.addi %mul3A_88, %add3A_89 : i32
      %lt3A_91 = arith.constant 152 : i32
      %lt3A_92 = arith.cmpi slt, %add3A_90, %lt3A_91 : i32
      %convert_element_type3A_93 = arith.extui %lt3A_92 : i1 to i32
      %cond3A_94 = arith.constant 0 : i32
      %cond3A_95 = arith.cmpi ne, %convert_element_type3A_93, %cond3A_94 : i32
      scf.if %cond3A_95 {
        %mul3A_148 = arith.constant 128 : i32
        %mul3A_149 = arith.muli %add3A_90, %mul3A_148 : i32
        %add3A_150 = arith.addi %mul3A_6, %mul3A_149 : i32
        %dma_start3A_151 = arith.constant 1 : i32
        %dma_start3A_152 = arith.constant 0 : i32
        %dma_start3A_153 = arith.constant 0 : i32
        %dma_start3A_154 = tpu.memref_slice %arg6[%dma_start3A_151, %dma_start3A_152, %dma_start3A_153] : memref<6x128x128xf32, #tpu.memory_space<vmem>> -> memref<1x128x128xf32, #tpu.memory_space<vmem>>
        %dma_start3A_155 = tpu.memref_squeeze %dma_start3A_154 : memref<1x128x128xf32, #tpu.memory_space<vmem>> -> memref<128x128xf32, #tpu.memory_space<vmem>>
        %dma_start3A_156 = arith.constant 0 : i32
        %dma_start3A_157 = tpu.memref_slice %arg4[%add3A_150, %dma_start3A_156] : memref<819200x128xf32, #tpu.memory_space<hbm>> -> memref<128x128xf32, #tpu.memory_space<hbm>>
        %dma_start3A_158 = arith.constant 0 : i32
        %dma_start3A_159 = tpu.memref_slice %arg4[%add3A_150, %dma_start3A_158] : memref<819200x128xf32, #tpu.memory_space<hbm>> -> memref<128x128xf32, #tpu.memory_space<hbm>>
        %dma_start3A_160 = arith.constant 0 : i32
        %dma_start3A_161 = arith.constant 0 : i32
        %dma_start3A_162 = tpu.memref_slice %arg6[%dma_start3A_151, %dma_start3A_160, %dma_start3A_161] : memref<6x128x128xf32, #tpu.memory_space<vmem>> -> memref<1x128x128xf32, #tpu.memory_space<vmem>>
        %dma_start3A_163 = tpu.memref_squeeze %dma_start3A_162 : memref<1x128x128xf32, #tpu.memory_space<vmem>> -> memref<128x128xf32, #tpu.memory_space<vmem>>
        tpu.enqueue_dma source(%dma_start3A_163 : memref<128x128xf32, #tpu.memory_space<vmem>>) target(%dma_start3A_159 : memref<128x128xf32, #tpu.memory_space<hbm>>) target_semaphore(%arg9 : memref<!tpu.dma_semaphore, #tpu.memory_space<semaphore_mem>>)
      } else {
      }
      %mul3A_96 = arith.constant 3 : i32
      %mul3A_97 = arith.muli %mul3A_96, %mul3A_49 : i32
      %add3A_98 = arith.constant 2 : i32
      %add3A_99 = arith.addi %mul3A_97, %add3A_98 : i32
      %lt3A_100 = arith.constant 152 : i32
      %lt3A_101 = arith.cmpi slt, %add3A_99, %lt3A_100 : i32
      %convert_element_type3A_102 = arith.extui %lt3A_101 : i1 to i32
      %cond3A_103 = arith.constant 0 : i32
      %cond3A_104 = arith.cmpi ne, %convert_element_type3A_102, %cond3A_103 : i32
      scf.if %cond3A_104 {
        %mul3A_148 = arith.constant 128 : i32
        %mul3A_149 = arith.muli %add3A_99, %mul3A_148 : i32
        %add3A_150 = arith.addi %mul3A_6, %mul3A_149 : i32
        %dma_start3A_151 = arith.constant 2 : i32
        %dma_start3A_152 = arith.constant 0 : i32
        %dma_start3A_153 = arith.constant 0 : i32
        %dma_start3A_154 = tpu.memref_slice %arg6[%dma_start3A_151, %dma_start3A_152, %dma_start3A_153] : memref<6x128x128xf32, #tpu.memory_space<vmem>> -> memref<1x128x128xf32, #tpu.memory_space<vmem>>
        %dma_start3A_155 = tpu.memref_squeeze %dma_start3A_154 : memref<1x128x128xf32, #tpu.memory_space<vmem>> -> memref<128x128xf32, #tpu.memory_space<vmem>>
        %dma_start3A_156 = arith.constant 0 : i32
        %dma_start3A_157 = tpu.memref_slice %arg4[%add3A_150, %dma_start3A_156] : memref<819200x128xf32, #tpu.memory_space<hbm>> -> memref<128x128xf32, #tpu.memory_space<hbm>>
        %dma_start3A_158 = arith.constant 0 : i32
        %dma_start3A_159 = tpu.memref_slice %arg4[%add3A_150, %dma_start3A_158] : memref<819200x128xf32, #tpu.memory_space<hbm>> -> memref<128x128xf32, #tpu.memory_space<hbm>>
        %dma_start3A_160 = arith.constant 0 : i32
        %dma_start3A_161 = arith.constant 0 : i32
        %dma_start3A_162 = tpu.memref_slice %arg6[%dma_start3A_151, %dma_start3A_160, %dma_start3A_161] : memref<6x128x128xf32, #tpu.memory_space<vmem>> -> memref<1x128x128xf32, #tpu.memory_space<vmem>>
        %dma_start3A_163 = tpu.memref_squeeze %dma_start3A_162 : memref<1x128x128xf32, #tpu.memory_space<vmem>> -> memref<128x128xf32, #tpu.memory_space<vmem>>
        tpu.enqueue_dma source(%dma_start3A_163 : memref<128x128xf32, #tpu.memory_space<vmem>>) target(%dma_start3A_159 : memref<128x128xf32, #tpu.memory_space<hbm>>) target_semaphore(%arg9 : memref<!tpu.dma_semaphore, #tpu.memory_space<semaphore_mem>>)
      } else {
      }
      %ge3A = arith.constant 1 : i32
      %ge3A_105 = arith.cmpi sge, %scan3A_47, %ge3A : i32
      %convert_element_type3A_106 = arith.extui %ge3A_105 : i1 to i32
      %cond3A_107 = arith.constant 0 : i32
      %cond3A_108 = arith.cmpi ne, %convert_element_type3A_106, %cond3A_107 : i32
      scf.if %cond3A_108 {
        %sub3A = arith.constant 1 : i32
        %sub3A_148 = arith.subi %mul3A_49, %sub3A : i32
        %mul3A_149 = arith.constant 3 : i32
        %mul3A_150 = arith.muli %mul3A_149, %sub3A_148 : i32
        %add3A_151 = arith.constant 0 : i32
        %add3A_152 = arith.addi %mul3A_150, %add3A_151 : i32
        %lt3A_153 = arith.constant 152 : i32
        %lt3A_154 = arith.cmpi slt, %add3A_152, %lt3A_153 : i32
        %convert_element_type3A_155 = arith.extui %lt3A_154 : i1 to i32
        %cond3A_156 = arith.constant 0 : i32
        %cond3A_157 = arith.cmpi ne, %convert_element_type3A_155, %cond3A_156 : i32
        scf.if %cond3A_157 {
          %mul3A_176 = arith.constant 128 : i32
          %mul3A_177 = arith.muli %add3A_152, %mul3A_176 : i32
          %add3A_178 = arith.addi %mul3A_6, %mul3A_177 : i32
          %dma_wait3A = arith.constant 3 : i32
          %dma_wait3A_179 = arith.constant 0 : i32
          %dma_wait3A_180 = arith.constant 0 : i32
          %dma_wait3A_181 = tpu.memref_slice %arg6[%dma_wait3A, %dma_wait3A_179, %dma_wait3A_180] : memref<6x128x128xf32, #tpu.memory_space<vmem>> -> memref<1x128x128xf32, #tpu.memory_space<vmem>>
          %dma_wait3A_182 = tpu.memref_squeeze %dma_wait3A_181 : memref<1x128x128xf32, #tpu.memory_space<vmem>> -> memref<128x128xf32, #tpu.memory_space<vmem>>
          %dma_wait3A_183 = arith.constant 0 : i32
          %dma_wait3A_184 = tpu.memref_slice %arg4[%add3A_178, %dma_wait3A_183] : memref<819200x128xf32, #tpu.memory_space<hbm>> -> memref<128x128xf32, #tpu.memory_space<hbm>>
          %dma_wait3A_185 = arith.constant 0 : i32
          %dma_wait3A_186 = tpu.memref_slice %arg4[%add3A_178, %dma_wait3A_185] : memref<819200x128xf32, #tpu.memory_space<hbm>> -> memref<128x128xf32, #tpu.memory_space<hbm>>
          %dma_wait3A_187 = arith.constant 0 : i32
          %dma_wait3A_188 = arith.constant 0 : i32
          %dma_wait3A_189 = tpu.memref_slice %arg6[%dma_wait3A, %dma_wait3A_187, %dma_wait3A_188] : memref<6x128x128xf32, #tpu.memory_space<vmem>> -> memref<1x128x128xf32, #tpu.memory_space<vmem>>
          %dma_wait3A_190 = tpu.memref_squeeze %dma_wait3A_189 : memref<1x128x128xf32, #tpu.memory_space<vmem>> -> memref<128x128xf32, #tpu.memory_space<vmem>>
          tpu.wait_dma2 semaphore(%arg10 : memref<!tpu.dma_semaphore, #tpu.memory_space<semaphore_mem>>) src(%dma_wait3A_190 : memref<128x128xf32, #tpu.memory_space<vmem>>) dst(%dma_wait3A_186 : memref<128x128xf32, #tpu.memory_space<hbm>>)
        } else {
        }
        %mul3A_158 = arith.constant 3 : i32
        %mul3A_159 = arith.muli %mul3A_158, %sub3A_148 : i32
        %add3A_160 = arith.constant 1 : i32
        %add3A_161 = arith.addi %mul3A_159, %add3A_160 : i32
        %lt3A_162 = arith.constant 152 : i32
        %lt3A_163 = arith.cmpi slt, %add3A_161, %lt3A_162 : i32
        %convert_element_type3A_164 = arith.extui %lt3A_163 : i1 to i32
        %cond3A_165 = arith.constant 0 : i32
        %cond3A_166 = arith.cmpi ne, %convert_element_type3A_164, %cond3A_165 : i32
        scf.if %cond3A_166 {
          %mul3A_176 = arith.constant 128 : i32
          %mul3A_177 = arith.muli %add3A_161, %mul3A_176 : i32
          %add3A_178 = arith.addi %mul3A_6, %mul3A_177 : i32
          %dma_wait3A = arith.constant 4 : i32
          %dma_wait3A_179 = arith.constant 0 : i32
          %dma_wait3A_180 = arith.constant 0 : i32
          %dma_wait3A_181 = tpu.memref_slice %arg6[%dma_wait3A, %dma_wait3A_179, %dma_wait3A_180] : memref<6x128x128xf32, #tpu.memory_space<vmem>> -> memref<1x128x128xf32, #tpu.memory_space<vmem>>
          %dma_wait3A_182 = tpu.memref_squeeze %dma_wait3A_181 : memref<1x128x128xf32, #tpu.memory_space<vmem>> -> memref<128x128xf32, #tpu.memory_space<vmem>>
          %dma_wait3A_183 = arith.constant 0 : i32
          %dma_wait3A_184 = tpu.memref_slice %arg4[%add3A_178, %dma_wait3A_183] : memref<819200x128xf32, #tpu.memory_space<hbm>> -> memref<128x128xf32, #tpu.memory_space<hbm>>
          %dma_wait3A_185 = arith.constant 0 : i32
          %dma_wait3A_186 = tpu.memref_slice %arg4[%add3A_178, %dma_wait3A_185] : memref<819200x128xf32, #tpu.memory_space<hbm>> -> memref<128x128xf32, #tpu.memory_space<hbm>>
          %dma_wait3A_187 = arith.constant 0 : i32
          %dma_wait3A_188 = arith.constant 0 : i32
          %dma_wait3A_189 = tpu.memref_slice %arg6[%dma_wait3A, %dma_wait3A_187, %dma_wait3A_188] : memref<6x128x128xf32, #tpu.memory_space<vmem>> -> memref<1x128x128xf32, #tpu.memory_space<vmem>>
          %dma_wait3A_190 = tpu.memref_squeeze %dma_wait3A_189 : memref<1x128x128xf32, #tpu.memory_space<vmem>> -> memref<128x128xf32, #tpu.memory_space<vmem>>
          tpu.wait_dma2 semaphore(%arg10 : memref<!tpu.dma_semaphore, #tpu.memory_space<semaphore_mem>>) src(%dma_wait3A_190 : memref<128x128xf32, #tpu.memory_space<vmem>>) dst(%dma_wait3A_186 : memref<128x128xf32, #tpu.memory_space<hbm>>)
        } else {
        }
        %mul3A_167 = arith.constant 3 : i32
        %mul3A_168 = arith.muli %mul3A_167, %sub3A_148 : i32
        %add3A_169 = arith.constant 2 : i32
        %add3A_170 = arith.addi %mul3A_168, %add3A_169 : i32
        %lt3A_171 = arith.constant 152 : i32
        %lt3A_172 = arith.cmpi slt, %add3A_170, %lt3A_171 : i32
        %convert_element_type3A_173 = arith.extui %lt3A_172 : i1 to i32
        %cond3A_174 = arith.constant 0 : i32
        %cond3A_175 = arith.cmpi ne, %convert_element_type3A_173, %cond3A_174 : i32
        scf.if %cond3A_175 {
          %mul3A_176 = arith.constant 128 : i32
          %mul3A_177 = arith.muli %add3A_170, %mul3A_176 : i32
          %add3A_178 = arith.addi %mul3A_6, %mul3A_177 : i32
          %dma_wait3A = arith.constant 5 : i32
          %dma_wait3A_179 = arith.constant 0 : i32
          %dma_wait3A_180 = arith.constant 0 : i32
          %dma_wait3A_181 = tpu.memref_slice %arg6[%dma_wait3A, %dma_wait3A_179, %dma_wait3A_180] : memref<6x128x128xf32, #tpu.memory_space<vmem>> -> memref<1x128x128xf32, #tpu.memory_space<vmem>>
          %dma_wait3A_182 = tpu.memref_squeeze %dma_wait3A_181 : memref<1x128x128xf32, #tpu.memory_space<vmem>> -> memref<128x128xf32, #tpu.memory_space<vmem>>
          %dma_wait3A_183 = arith.constant 0 : i32
          %dma_wait3A_184 = tpu.memref_slice %arg4[%add3A_178, %dma_wait3A_183] : memref<819200x128xf32, #tpu.memory_space<hbm>> -> memref<128x128xf32, #tpu.memory_space<hbm>>
          %dma_wait3A_185 = arith.constant 0 : i32
          %dma_wait3A_186 = tpu.memref_slice %arg4[%add3A_178, %dma_wait3A_185] : memref<819200x128xf32, #tpu.memory_space<hbm>> -> memref<128x128xf32, #tpu.memory_space<hbm>>
          %dma_wait3A_187 = arith.constant 0 : i32
          %dma_wait3A_188 = arith.constant 0 : i32
          %dma_wait3A_189 = tpu.memref_slice %arg6[%dma_wait3A, %dma_wait3A_187, %dma_wait3A_188] : memref<6x128x128xf32, #tpu.memory_space<vmem>> -> memref<1x128x128xf32, #tpu.memory_space<vmem>>
          %dma_wait3A_190 = tpu.memref_squeeze %dma_wait3A_189 : memref<1x128x128xf32, #tpu.memory_space<vmem>> -> memref<128x128xf32, #tpu.memory_space<vmem>>
          tpu.wait_dma2 semaphore(%arg10 : memref<!tpu.dma_semaphore, #tpu.memory_space<semaphore_mem>>) src(%dma_wait3A_190 : memref<128x128xf32, #tpu.memory_space<vmem>>) dst(%dma_wait3A_186 : memref<128x128xf32, #tpu.memory_space<hbm>>)
        } else {
        }
      } else {
      }
      %lt3A_109 = arith.constant 51 : i32
      %lt3A_110 = arith.cmpi slt, %add3A_53, %lt3A_109 : i32
      %convert_element_type3A_111 = arith.extui %lt3A_110 : i1 to i32
      %cond3A_112 = arith.constant 0 : i32
      %cond3A_113 = arith.cmpi ne, %convert_element_type3A_111, %cond3A_112 : i32
      scf.if %cond3A_113 {
        %mul3A_148 = arith.constant 3 : i32
        %mul3A_149 = arith.muli %mul3A_148, %add3A_53 : i32
        %add3A_150 = arith.constant 0 : i32
        %add3A_151 = arith.addi %mul3A_149, %add3A_150 : i32
        %lt3A_152 = arith.constant 152 : i32
        %lt3A_153 = arith.cmpi slt, %add3A_151, %lt3A_152 : i32
        %convert_element_type3A_154 = arith.extui %lt3A_153 : i1 to i32
        %cond3A_155 = arith.constant 0 : i32
        %cond3A_156 = arith.cmpi ne, %convert_element_type3A_154, %cond3A_155 : i32
        scf.if %cond3A_156 {
          %dma_start3A_229 = arith.constant 3 : i32
          %dma_start3A_230 = arith.constant 0 : i32
          %dma_start3A_231 = arith.constant 0 : i32
          %dma_start3A_232 = tpu.memref_slice %arg6[%dma_start3A_229, %dma_start3A_230, %dma_start3A_231] : memref<6x128x128xf32, #tpu.memory_space<vmem>> -> memref<1x128x128xf32, #tpu.memory_space<vmem>>
          %dma_start3A_233 = tpu.memref_squeeze %dma_start3A_232 : memref<1x128x128xf32, #tpu.memory_space<vmem>> -> memref<128x128xf32, #tpu.memory_space<vmem>>
          %dma_start3A_234 = arith.constant 0 : i32
          %dma_start3A_235 = tpu.memref_slice %arg5[%add3A_151, %dma_start3A_234] : memref<152x128xi32, #tpu.memory_space<vmem>> -> memref<1x128xi32, #tpu.memory_space<vmem>>
          %dma_start3A_236 = tpu.memref_squeeze %dma_start3A_235 : memref<1x128xi32, #tpu.memory_space<vmem>> -> memref<128xi32, #tpu.memory_space<vmem>>
          %dma_start3A_237 = arith.constant 0 : i32
          %dma_start3A_238 = arith.constant 0 : i32
          %dma_start3A_239 = tpu.memref_slice %arg2[%dma_start3A_237, %dma_start3A_238] : memref<1208x128xf32, #tpu.memory_space<hbm>> -> memref<1208x128xf32, #tpu.memory_space<hbm>>
          tpu.enqueue_indirect_dma source(%dma_start3A_239 : memref<1208x128xf32, #tpu.memory_space<hbm>>) target(%dma_start3A_233 : memref<128x128xf32, #tpu.memory_space<vmem>>) offsets(%dma_start3A_236 : memref<128xi32, #tpu.memory_space<vmem>>) semaphore(%arg8 : memref<!tpu.dma_semaphore, #tpu.memory_space<semaphore_mem>>)
        } else {
        }
        %mul3A_157 = arith.constant 3 : i32
        %mul3A_158 = arith.muli %mul3A_157, %add3A_53 : i32
        %add3A_159 = arith.constant 1 : i32
        %add3A_160 = arith.addi %mul3A_158, %add3A_159 : i32
        %lt3A_161 = arith.constant 152 : i32
        %lt3A_162 = arith.cmpi slt, %add3A_160, %lt3A_161 : i32
        %convert_element_type3A_163 = arith.extui %lt3A_162 : i1 to i32
        %cond3A_164 = arith.constant 0 : i32
        %cond3A_165 = arith.cmpi ne, %convert_element_type3A_163, %cond3A_164 : i32
        scf.if %cond3A_165 {
          %dma_start3A_229 = arith.constant 4 : i32
          %dma_start3A_230 = arith.constant 0 : i32
          %dma_start3A_231 = arith.constant 0 : i32
          %dma_start3A_232 = tpu.memref_slice %arg6[%dma_start3A_229, %dma_start3A_230, %dma_start3A_231] : memref<6x128x128xf32, #tpu.memory_space<vmem>> -> memref<1x128x128xf32, #tpu.memory_space<vmem>>
          %dma_start3A_233 = tpu.memref_squeeze %dma_start3A_232 : memref<1x128x128xf32, #tpu.memory_space<vmem>> -> memref<128x128xf32, #tpu.memory_space<vmem>>
          %dma_start3A_234 = arith.constant 0 : i32
          %dma_start3A_235 = tpu.memref_slice %arg5[%add3A_160, %dma_start3A_234] : memref<152x128xi32, #tpu.memory_space<vmem>> -> memref<1x128xi32, #tpu.memory_space<vmem>>
          %dma_start3A_236 = tpu.memref_squeeze %dma_start3A_235 : memref<1x128xi32, #tpu.memory_space<vmem>> -> memref<128xi32, #tpu.memory_space<vmem>>
          %dma_start3A_237 = arith.constant 0 : i32
          %dma_start3A_238 = arith.constant 0 : i32
          %dma_start3A_239 = tpu.memref_slice %arg2[%dma_start3A_237, %dma_start3A_238] : memref<1208x128xf32, #tpu.memory_space<hbm>> -> memref<1208x128xf32, #tpu.memory_space<hbm>>
          tpu.enqueue_indirect_dma source(%dma_start3A_239 : memref<1208x128xf32, #tpu.memory_space<hbm>>) target(%dma_start3A_233 : memref<128x128xf32, #tpu.memory_space<vmem>>) offsets(%dma_start3A_236 : memref<128xi32, #tpu.memory_space<vmem>>) semaphore(%arg8 : memref<!tpu.dma_semaphore, #tpu.memory_space<semaphore_mem>>)
        } else {
        }
        %mul3A_166 = arith.constant 3 : i32
        %mul3A_167 = arith.muli %mul3A_166, %add3A_53 : i32
        %add3A_168 = arith.constant 2 : i32
        %add3A_169 = arith.addi %mul3A_167, %add3A_168 : i32
        %lt3A_170 = arith.constant 152 : i32
        %lt3A_171 = arith.cmpi slt, %add3A_169, %lt3A_170 : i32
        %convert_element_type3A_172 = arith.extui %lt3A_171 : i1 to i32
        %cond3A_173 = arith.constant 0 : i32
        %cond3A_174 = arith.cmpi ne, %convert_element_type3A_172, %cond3A_173 : i32
        scf.if %cond3A_174 {
          %dma_start3A_229 = arith.constant 5 : i32
          %dma_start3A_230 = arith.constant 0 : i32
          %dma_start3A_231 = arith.constant 0 : i32
          %dma_start3A_232 = tpu.memref_slice %arg6[%dma_start3A_229, %dma_start3A_230, %dma_start3A_231] : memref<6x128x128xf32, #tpu.memory_space<vmem>> -> memref<1x128x128xf32, #tpu.memory_space<vmem>>
          %dma_start3A_233 = tpu.memref_squeeze %dma_start3A_232 : memref<1x128x128xf32, #tpu.memory_space<vmem>> -> memref<128x128xf32, #tpu.memory_space<vmem>>
          %dma_start3A_234 = arith.constant 0 : i32
          %dma_start3A_235 = tpu.memref_slice %arg5[%add3A_169, %dma_start3A_234] : memref<152x128xi32, #tpu.memory_space<vmem>> -> memref<1x128xi32, #tpu.memory_space<vmem>>
          %dma_start3A_236 = tpu.memref_squeeze %dma_start3A_235 : memref<1x128xi32, #tpu.memory_space<vmem>> -> memref<128xi32, #tpu.memory_space<vmem>>
          %dma_start3A_237 = arith.constant 0 : i32
          %dma_start3A_238 = arith.constant 0 : i32
          %dma_start3A_239 = tpu.memref_slice %arg2[%dma_start3A_237, %dma_start3A_238] : memref<1208x128xf32, #tpu.memory_space<hbm>> -> memref<1208x128xf32, #tpu.memory_space<hbm>>
          tpu.enqueue_indirect_dma source(%dma_start3A_239 : memref<1208x128xf32, #tpu.memory_space<hbm>>) target(%dma_start3A_233 : memref<128x128xf32, #tpu.memory_space<vmem>>) offsets(%dma_start3A_236 : memref<128xi32, #tpu.memory_space<vmem>>) semaphore(%arg8 : memref<!tpu.dma_semaphore, #tpu.memory_space<semaphore_mem>>)
        } else {
        }
        %mul3A_175 = arith.constant 3 : i32
        %mul3A_176 = arith.muli %mul3A_175, %add3A_53 : i32
        %add3A_177 = arith.constant 0 : i32
        %add3A_178 = arith.addi %mul3A_176, %add3A_177 : i32
        %lt3A_179 = arith.constant 152 : i32
        %lt3A_180 = arith.cmpi slt, %add3A_178, %lt3A_179 : i32
        %convert_element_type3A_181 = arith.extui %lt3A_180 : i1 to i32
        %cond3A_182 = arith.constant 0 : i32
        %cond3A_183 = arith.cmpi ne, %convert_element_type3A_181, %cond3A_182 : i32
        scf.if %cond3A_183 {
          %dma_wait3A = arith.constant 3 : i32
          %dma_wait3A_229 = arith.constant 0 : i32
          %dma_wait3A_230 = arith.constant 0 : i32
          %dma_wait3A_231 = tpu.memref_slice %arg6[%dma_wait3A, %dma_wait3A_229, %dma_wait3A_230] : memref<6x128x128xf32, #tpu.memory_space<vmem>> -> memref<1x128x128xf32, #tpu.memory_space<vmem>>
          %dma_wait3A_232 = tpu.memref_squeeze %dma_wait3A_231 : memref<1x128x128xf32, #tpu.memory_space<vmem>> -> memref<128x128xf32, #tpu.memory_space<vmem>>
          %dma_wait3A_233 = arith.constant 0 : i32
          %dma_wait3A_234 = tpu.memref_slice %arg5[%add3A_178, %dma_wait3A_233] : memref<152x128xi32, #tpu.memory_space<vmem>> -> memref<1x128xi32, #tpu.memory_space<vmem>>
          %dma_wait3A_235 = tpu.memref_squeeze %dma_wait3A_234 : memref<1x128xi32, #tpu.memory_space<vmem>> -> memref<128xi32, #tpu.memory_space<vmem>>
          %dma_wait3A_236 = arith.constant 0 : i32
          %dma_wait3A_237 = arith.constant 0 : i32
          %dma_wait3A_238 = tpu.memref_slice %arg2[%dma_wait3A_236, %dma_wait3A_237] : memref<1208x128xf32, #tpu.memory_space<hbm>> -> memref<1208x128xf32, #tpu.memory_space<hbm>>
          tpu.wait_indirect_dma semaphore(%arg8 : memref<!tpu.dma_semaphore, #tpu.memory_space<semaphore_mem>>) src(%dma_wait3A_238 : memref<1208x128xf32, #tpu.memory_space<hbm>>) dst(%dma_wait3A_232 : memref<128x128xf32, #tpu.memory_space<vmem>>)
        } else {
        }
        %mul3A_184 = arith.constant 3 : i32
        %mul3A_185 = arith.muli %mul3A_184, %add3A_53 : i32
        %add3A_186 = arith.constant 1 : i32
        %add3A_187 = arith.addi %mul3A_185, %add3A_186 : i32
        %lt3A_188 = arith.constant 152 : i32
        %lt3A_189 = arith.cmpi slt, %add3A_187, %lt3A_188 : i32
        %convert_element_type3A_190 = arith.extui %lt3A_189 : i1 to i32
        %cond3A_191 = arith.constant 0 : i32
        %cond3A_192 = arith.cmpi ne, %convert_element_type3A_190, %cond3A_191 : i32
        scf.if %cond3A_192 {
          %dma_wait3A = arith.constant 4 : i32
          %dma_wait3A_229 = arith.constant 0 : i32
          %dma_wait3A_230 = arith.constant 0 : i32
          %dma_wait3A_231 = tpu.memref_slice %arg6[%dma_wait3A, %dma_wait3A_229, %dma_wait3A_230] : memref<6x128x128xf32, #tpu.memory_space<vmem>> -> memref<1x128x128xf32, #tpu.memory_space<vmem>>
          %dma_wait3A_232 = tpu.memref_squeeze %dma_wait3A_231 : memref<1x128x128xf32, #tpu.memory_space<vmem>> -> memref<128x128xf32, #tpu.memory_space<vmem>>
          %dma_wait3A_233 = arith.constant 0 : i32
          %dma_wait3A_234 = tpu.memref_slice %arg5[%add3A_187, %dma_wait3A_233] : memref<152x128xi32, #tpu.memory_space<vmem>> -> memref<1x128xi32, #tpu.memory_space<vmem>>
          %dma_wait3A_235 = tpu.memref_squeeze %dma_wait3A_234 : memref<1x128xi32, #tpu.memory_space<vmem>> -> memref<128xi32, #tpu.memory_space<vmem>>
          %dma_wait3A_236 = arith.constant 0 : i32
          %dma_wait3A_237 = arith.constant 0 : i32
          %dma_wait3A_238 = tpu.memref_slice %arg2[%dma_wait3A_236, %dma_wait3A_237] : memref<1208x128xf32, #tpu.memory_space<hbm>> -> memref<1208x128xf32, #tpu.memory_space<hbm>>
          tpu.wait_indirect_dma semaphore(%arg8 : memref<!tpu.dma_semaphore, #tpu.memory_space<semaphore_mem>>) src(%dma_wait3A_238 : memref<1208x128xf32, #tpu.memory_space<hbm>>) dst(%dma_wait3A_232 : memref<128x128xf32, #tpu.memory_space<vmem>>)
        } else {
        }
        %mul3A_193 = arith.constant 3 : i32
        %mul3A_194 = arith.muli %mul3A_193, %add3A_53 : i32
        %add3A_195 = arith.constant 2 : i32
        %add3A_196 = arith.addi %mul3A_194, %add3A_195 : i32
        %lt3A_197 = arith.constant 152 : i32
        %lt3A_198 = arith.cmpi slt, %add3A_196, %lt3A_197 : i32
        %convert_element_type3A_199 = arith.extui %lt3A_198 : i1 to i32
        %cond3A_200 = arith.constant 0 : i32
        %cond3A_201 = arith.cmpi ne, %convert_element_type3A_199, %cond3A_200 : i32
        scf.if %cond3A_201 {
          %dma_wait3A = arith.constant 5 : i32
          %dma_wait3A_229 = arith.constant 0 : i32
          %dma_wait3A_230 = arith.constant 0 : i32
          %dma_wait3A_231 = tpu.memref_slice %arg6[%dma_wait3A, %dma_wait3A_229, %dma_wait3A_230] : memref<6x128x128xf32, #tpu.memory_space<vmem>> -> memref<1x128x128xf32, #tpu.memory_space<vmem>>
          %dma_wait3A_232 = tpu.memref_squeeze %dma_wait3A_231 : memref<1x128x128xf32, #tpu.memory_space<vmem>> -> memref<128x128xf32, #tpu.memory_space<vmem>>
          %dma_wait3A_233 = arith.constant 0 : i32
          %dma_wait3A_234 = tpu.memref_slice %arg5[%add3A_196, %dma_wait3A_233] : memref<152x128xi32, #tpu.memory_space<vmem>> -> memref<1x128xi32, #tpu.memory_space<vmem>>
          %dma_wait3A_235 = tpu.memref_squeeze %dma_wait3A_234 : memref<1x128xi32, #tpu.memory_space<vmem>> -> memref<128xi32, #tpu.memory_space<vmem>>
          %dma_wait3A_236 = arith.constant 0 : i32
          %dma_wait3A_237 = arith.constant 0 : i32
          %dma_wait3A_238 = tpu.memref_slice %arg2[%dma_wait3A_236, %dma_wait3A_237] : memref<1208x128xf32, #tpu.memory_space<hbm>> -> memref<1208x128xf32, #tpu.memory_space<hbm>>
          tpu.wait_indirect_dma semaphore(%arg8 : memref<!tpu.dma_semaphore, #tpu.memory_space<semaphore_mem>>) src(%dma_wait3A_238 : memref<1208x128xf32, #tpu.memory_space<hbm>>) dst(%dma_wait3A_232 : memref<128x128xf32, #tpu.memory_space<vmem>>)
        } else {
        }
        %mul3A_202 = arith.constant 3 : i32
        %mul3A_203 = arith.muli %mul3A_202, %add3A_53 : i32
        %add3A_204 = arith.constant 0 : i32
        %add3A_205 = arith.addi %mul3A_203, %add3A_204 : i32
        %lt3A_206 = arith.constant 152 : i32
        %lt3A_207 = arith.cmpi slt, %add3A_205, %lt3A_206 : i32
        %convert_element_type3A_208 = arith.extui %lt3A_207 : i1 to i32
        %cond3A_209 = arith.constant 0 : i32
        %cond3A_210 = arith.cmpi ne, %convert_element_type3A_208, %cond3A_209 : i32
        scf.if %cond3A_210 {
          %mul3A_229 = arith.constant 128 : i32
          %mul3A_230 = arith.muli %add3A_205, %mul3A_229 : i32
          %add3A_231 = arith.addi %mul3A_6, %mul3A_230 : i32
          %dma_start3A_232 = arith.constant 3 : i32
          %dma_start3A_233 = arith.constant 0 : i32
          %dma_start3A_234 = arith.constant 0 : i32
          %dma_start3A_235 = tpu.memref_slice %arg6[%dma_start3A_232, %dma_start3A_233, %dma_start3A_234] : memref<6x128x128xf32, #tpu.memory_space<vmem>> -> memref<1x128x128xf32, #tpu.memory_space<vmem>>
          %dma_start3A_236 = tpu.memref_squeeze %dma_start3A_235 : memref<1x128x128xf32, #tpu.memory_space<vmem>> -> memref<128x128xf32, #tpu.memory_space<vmem>>
          %dma_start3A_237 = arith.constant 0 : i32
          %dma_start3A_238 = tpu.memref_slice %arg4[%add3A_231, %dma_start3A_237] : memref<819200x128xf32, #tpu.memory_space<hbm>> -> memref<128x128xf32, #tpu.memory_space<hbm>>
          %dma_start3A_239 = arith.constant 0 : i32
          %dma_start3A_240 = tpu.memref_slice %arg4[%add3A_231, %dma_start3A_239] : memref<819200x128xf32, #tpu.memory_space<hbm>> -> memref<128x128xf32, #tpu.memory_space<hbm>>
          %dma_start3A_241 = arith.constant 0 : i32
          %dma_start3A_242 = arith.constant 0 : i32
          %dma_start3A_243 = tpu.memref_slice %arg6[%dma_start3A_232, %dma_start3A_241, %dma_start3A_242] : memref<6x128x128xf32, #tpu.memory_space<vmem>> -> memref<1x128x128xf32, #tpu.memory_space<vmem>>
          %dma_start3A_244 = tpu.memref_squeeze %dma_start3A_243 : memref<1x128x128xf32, #tpu.memory_space<vmem>> -> memref<128x128xf32, #tpu.memory_space<vmem>>
          tpu.enqueue_dma source(%dma_start3A_244 : memref<128x128xf32, #tpu.memory_space<vmem>>) target(%dma_start3A_240 : memref<128x128xf32, #tpu.memory_space<hbm>>) target_semaphore(%arg10 : memref<!tpu.dma_semaphore, #tpu.memory_space<semaphore_mem>>)
        } else {
        }
        %mul3A_211 = arith.constant 3 : i32
        %mul3A_212 = arith.muli %mul3A_211, %add3A_53 : i32
        %add3A_213 = arith.constant 1 : i32
        %add3A_214 = arith.addi %mul3A_212, %add3A_213 : i32
        %lt3A_215 = arith.constant 152 : i32
        %lt3A_216 = arith.cmpi slt, %add3A_214, %lt3A_215 : i32
        %convert_element_type3A_217 = arith.extui %lt3A_216 : i1 to i32
        %cond3A_218 = arith.constant 0 : i32
        %cond3A_219 = arith.cmpi ne, %convert_element_type3A_217, %cond3A_218 : i32
        scf.if %cond3A_219 {
          %mul3A_229 = arith.constant 128 : i32
          %mul3A_230 = arith.muli %add3A_214, %mul3A_229 : i32
          %add3A_231 = arith.addi %mul3A_6, %mul3A_230 : i32
          %dma_start3A_232 = arith.constant 4 : i32
          %dma_start3A_233 = arith.constant 0 : i32
          %dma_start3A_234 = arith.constant 0 : i32
          %dma_start3A_235 = tpu.memref_slice %arg6[%dma_start3A_232, %dma_start3A_233, %dma_start3A_234] : memref<6x128x128xf32, #tpu.memory_space<vmem>> -> memref<1x128x128xf32, #tpu.memory_space<vmem>>
          %dma_start3A_236 = tpu.memref_squeeze %dma_start3A_235 : memref<1x128x128xf32, #tpu.memory_space<vmem>> -> memref<128x128xf32, #tpu.memory_space<vmem>>
          %dma_start3A_237 = arith.constant 0 : i32
          %dma_start3A_238 = tpu.memref_slice %arg4[%add3A_231, %dma_start3A_237] : memref<819200x128xf32, #tpu.memory_space<hbm>> -> memref<128x128xf32, #tpu.memory_space<hbm>>
          %dma_start3A_239 = arith.constant 0 : i32
          %dma_start3A_240 = tpu.memref_slice %arg4[%add3A_231, %dma_start3A_239] : memref<819200x128xf32, #tpu.memory_space<hbm>> -> memref<128x128xf32, #tpu.memory_space<hbm>>
          %dma_start3A_241 = arith.constant 0 : i32
          %dma_start3A_242 = arith.constant 0 : i32
          %dma_start3A_243 = tpu.memref_slice %arg6[%dma_start3A_232, %dma_start3A_241, %dma_start3A_242] : memref<6x128x128xf32, #tpu.memory_space<vmem>> -> memref<1x128x128xf32, #tpu.memory_space<vmem>>
          %dma_start3A_244 = tpu.memref_squeeze %dma_start3A_243 : memref<1x128x128xf32, #tpu.memory_space<vmem>> -> memref<128x128xf32, #tpu.memory_space<vmem>>
          tpu.enqueue_dma source(%dma_start3A_244 : memref<128x128xf32, #tpu.memory_space<vmem>>) target(%dma_start3A_240 : memref<128x128xf32, #tpu.memory_space<hbm>>) target_semaphore(%arg10 : memref<!tpu.dma_semaphore, #tpu.memory_space<semaphore_mem>>)
        } else {
        }
        %mul3A_220 = arith.constant 3 : i32
        %mul3A_221 = arith.muli %mul3A_220, %add3A_53 : i32
        %add3A_222 = arith.constant 2 : i32
        %add3A_223 = arith.addi %mul3A_221, %add3A_222 : i32
        %lt3A_224 = arith.constant 152 : i32
        %lt3A_225 = arith.cmpi slt, %add3A_223, %lt3A_224 : i32
        %convert_element_type3A_226 = arith.extui %lt3A_225 : i1 to i32
        %cond3A_227 = arith.constant 0 : i32
        %cond3A_228 = arith.cmpi ne, %convert_element_type3A_226, %cond3A_227 : i32
        scf.if %cond3A_228 {
          %mul3A_229 = arith.constant 128 : i32
          %mul3A_230 = arith.muli %add3A_223, %mul3A_229 : i32
          %add3A_231 = arith.addi %mul3A_6, %mul3A_230 : i32
          %dma_start3A_232 = arith.constant 5 : i32
          %dma_start3A_233 = arith.constant 0 : i32
          %dma_start3A_234 = arith.constant 0 : i32
          %dma_start3A_235 = tpu.memref_slice %arg6[%dma_start3A_232, %dma_start3A_233, %dma_start3A_234] : memref<6x128x128xf32, #tpu.memory_space<vmem>> -> memref<1x128x128xf32, #tpu.memory_space<vmem>>
          %dma_start3A_236 = tpu.memref_squeeze %dma_start3A_235 : memref<1x128x128xf32, #tpu.memory_space<vmem>> -> memref<128x128xf32, #tpu.memory_space<vmem>>
          %dma_start3A_237 = arith.constant 0 : i32
          %dma_start3A_238 = tpu.memref_slice %arg4[%add3A_231, %dma_start3A_237] : memref<819200x128xf32, #tpu.memory_space<hbm>> -> memref<128x128xf32, #tpu.memory_space<hbm>>
          %dma_start3A_239 = arith.constant 0 : i32
          %dma_start3A_240 = tpu.memref_slice %arg4[%add3A_231, %dma_start3A_239] : memref<819200x128xf32, #tpu.memory_space<hbm>> -> memref<128x128xf32, #tpu.memory_space<hbm>>
          %dma_start3A_241 = arith.constant 0 : i32
          %dma_start3A_242 = arith.constant 0 : i32
          %dma_start3A_243 = tpu.memref_slice %arg6[%dma_start3A_232, %dma_start3A_241, %dma_start3A_242] : memref<6x128x128xf32, #tpu.memory_space<vmem>> -> memref<1x128x128xf32, #tpu.memory_space<vmem>>
          %dma_start3A_244 = tpu.memref_squeeze %dma_start3A_243 : memref<1x128x128xf32, #tpu.memory_space<vmem>> -> memref<128x128xf32, #tpu.memory_space<vmem>>
          tpu.enqueue_dma source(%dma_start3A_244 : memref<128x128xf32, #tpu.memory_space<vmem>>) target(%dma_start3A_240 : memref<128x128xf32, #tpu.memory_space<hbm>>) target_semaphore(%arg10 : memref<!tpu.dma_semaphore, #tpu.memory_space<semaphore_mem>>)
        } else {
        }
      } else {
      }
      %mul3A_114 = arith.constant 3 : i32
      %mul3A_115 = arith.muli %mul3A_114, %mul3A_49 : i32
      %add3A_116 = arith.constant 0 : i32
      %add3A_117 = arith.addi %mul3A_115, %add3A_116 : i32
      %lt3A_118 = arith.constant 152 : i32
      %lt3A_119 = arith.cmpi slt, %add3A_117, %lt3A_118 : i32
      %convert_element_type3A_120 = arith.extui %lt3A_119 : i1 to i32
      %cond3A_121 = arith.constant 0 : i32
      %cond3A_122 = arith.cmpi ne, %convert_element_type3A_120, %cond3A_121 : i32
      scf.if %cond3A_122 {
        %mul3A_148 = arith.constant 128 : i32
        %mul3A_149 = arith.muli %add3A_117, %mul3A_148 : i32
        %add3A_150 = arith.addi %mul3A_6, %mul3A_149 : i32
        %dma_wait3A = arith.constant 0 : i32
        %dma_wait3A_151 = arith.constant 0 : i32
        %dma_wait3A_152 = arith.constant 0 : i32
        %dma_wait3A_153 = tpu.memref_slice %arg6[%dma_wait3A, %dma_wait3A_151, %dma_wait3A_152] : memref<6x128x128xf32, #tpu.memory_space<vmem>> -> memref<1x128x128xf32, #tpu.memory_space<vmem>>
        %dma_wait3A_154 = tpu.memref_squeeze %dma_wait3A_153 : memref<1x128x128xf32, #tpu.memory_space<vmem>> -> memref<128x128xf32, #tpu.memory_space<vmem>>
        %dma_wait3A_155 = arith.constant 0 : i32
        %dma_wait3A_156 = tpu.memref_slice %arg4[%add3A_150, %dma_wait3A_155] : memref<819200x128xf32, #tpu.memory_space<hbm>> -> memref<128x128xf32, #tpu.memory_space<hbm>>
        %dma_wait3A_157 = arith.constant 0 : i32
        %dma_wait3A_158 = tpu.memref_slice %arg4[%add3A_150, %dma_wait3A_157] : memref<819200x128xf32, #tpu.memory_space<hbm>> -> memref<128x128xf32, #tpu.memory_space<hbm>>
        %dma_wait3A_159 = arith.constant 0 : i32
        %dma_wait3A_160 = arith.constant 0 : i32
        %dma_wait3A_161 = tpu.memref_slice %arg6[%dma_wait3A, %dma_wait3A_159, %dma_wait3A_160] : memref<6x128x128xf32, #tpu.memory_space<vmem>> -> memref<1x128x128xf32, #tpu.memory_space<vmem>>
        %dma_wait3A_162 = tpu.memref_squeeze %dma_wait3A_161 : memref<1x128x128xf32, #tpu.memory_space<vmem>> -> memref<128x128xf32, #tpu.memory_space<vmem>>
        tpu.wait_dma2 semaphore(%arg9 : memref<!tpu.dma_semaphore, #tpu.memory_space<semaphore_mem>>) src(%dma_wait3A_162 : memref<128x128xf32, #tpu.memory_space<vmem>>) dst(%dma_wait3A_158 : memref<128x128xf32, #tpu.memory_space<hbm>>)
      } else {
      }
      %mul3A_123 = arith.constant 3 : i32
      %mul3A_124 = arith.muli %mul3A_123, %mul3A_49 : i32
      %add3A_125 = arith.constant 1 : i32
      %add3A_126 = arith.addi %mul3A_124, %add3A_125 : i32
      %lt3A_127 = arith.constant 152 : i32
      %lt3A_128 = arith.cmpi slt, %add3A_126, %lt3A_127 : i32
      %convert_element_type3A_129 = arith.extui %lt3A_128 : i1 to i32
      %cond3A_130 = arith.constant 0 : i32
      %cond3A_131 = arith.cmpi ne, %convert_element_type3A_129, %cond3A_130 : i32
      scf.if %cond3A_131 {
        %mul3A_148 = arith.constant 128 : i32
        %mul3A_149 = arith.muli %add3A_126, %mul3A_148 : i32
        %add3A_150 = arith.addi %mul3A_6, %mul3A_149 : i32
        %dma_wait3A = arith.constant 1 : i32
        %dma_wait3A_151 = arith.constant 0 : i32
        %dma_wait3A_152 = arith.constant 0 : i32
        %dma_wait3A_153 = tpu.memref_slice %arg6[%dma_wait3A, %dma_wait3A_151, %dma_wait3A_152] : memref<6x128x128xf32, #tpu.memory_space<vmem>> -> memref<1x128x128xf32, #tpu.memory_space<vmem>>
        %dma_wait3A_154 = tpu.memref_squeeze %dma_wait3A_153 : memref<1x128x128xf32, #tpu.memory_space<vmem>> -> memref<128x128xf32, #tpu.memory_space<vmem>>
        %dma_wait3A_155 = arith.constant 0 : i32
        %dma_wait3A_156 = tpu.memref_slice %arg4[%add3A_150, %dma_wait3A_155] : memref<819200x128xf32, #tpu.memory_space<hbm>> -> memref<128x128xf32, #tpu.memory_space<hbm>>
        %dma_wait3A_157 = arith.constant 0 : i32
        %dma_wait3A_158 = tpu.memref_slice %arg4[%add3A_150, %dma_wait3A_157] : memref<819200x128xf32, #tpu.memory_space<hbm>> -> memref<128x128xf32, #tpu.memory_space<hbm>>
        %dma_wait3A_159 = arith.constant 0 : i32
        %dma_wait3A_160 = arith.constant 0 : i32
        %dma_wait3A_161 = tpu.memref_slice %arg6[%dma_wait3A, %dma_wait3A_159, %dma_wait3A_160] : memref<6x128x128xf32, #tpu.memory_space<vmem>> -> memref<1x128x128xf32, #tpu.memory_space<vmem>>
        %dma_wait3A_162 = tpu.memref_squeeze %dma_wait3A_161 : memref<1x128x128xf32, #tpu.memory_space<vmem>> -> memref<128x128xf32, #tpu.memory_space<vmem>>
        tpu.wait_dma2 semaphore(%arg9 : memref<!tpu.dma_semaphore, #tpu.memory_space<semaphore_mem>>) src(%dma_wait3A_162 : memref<128x128xf32, #tpu.memory_space<vmem>>) dst(%dma_wait3A_158 : memref<128x128xf32, #tpu.memory_space<hbm>>)
      } else {
      }
      %mul3A_132 = arith.constant 3 : i32
      %mul3A_133 = arith.muli %mul3A_132, %mul3A_49 : i32
      %add3A_134 = arith.constant 2 : i32
      %add3A_135 = arith.addi %mul3A_133, %add3A_134 : i32
      %lt3A_136 = arith.constant 152 : i32
      %lt3A_137 = arith.cmpi slt, %add3A_135, %lt3A_136 : i32
      %convert_element_type3A_138 = arith.extui %lt3A_137 : i1 to i32
      %cond3A_139 = arith.constant 0 : i32
      %cond3A_140 = arith.cmpi ne, %convert_element_type3A_138, %cond3A_139 : i32
      scf.if %cond3A_140 {
        %mul3A_148 = arith.constant 128 : i32
        %mul3A_149 = arith.muli %add3A_135, %mul3A_148 : i32
        %add3A_150 = arith.addi %mul3A_6, %mul3A_149 : i32
        %dma_wait3A = arith.constant 2 : i32
        %dma_wait3A_151 = arith.constant 0 : i32
        %dma_wait3A_152 = arith.constant 0 : i32
        %dma_wait3A_153 = tpu.memref_slice %arg6[%dma_wait3A, %dma_wait3A_151, %dma_wait3A_152] : memref<6x128x128xf32, #tpu.memory_space<vmem>> -> memref<1x128x128xf32, #tpu.memory_space<vmem>>
        %dma_wait3A_154 = tpu.memref_squeeze %dma_wait3A_153 : memref<1x128x128xf32, #tpu.memory_space<vmem>> -> memref<128x128xf32, #tpu.memory_space<vmem>>
        %dma_wait3A_155 = arith.constant 0 : i32
        %dma_wait3A_156 = tpu.memref_slice %arg4[%add3A_150, %dma_wait3A_155] : memref<819200x128xf32, #tpu.memory_space<hbm>> -> memref<128x128xf32, #tpu.memory_space<hbm>>
        %dma_wait3A_157 = arith.constant 0 : i32
        %dma_wait3A_158 = tpu.memref_slice %arg4[%add3A_150, %dma_wait3A_157] : memref<819200x128xf32, #tpu.memory_space<hbm>> -> memref<128x128xf32, #tpu.memory_space<hbm>>
        %dma_wait3A_159 = arith.constant 0 : i32
        %dma_wait3A_160 = arith.constant 0 : i32
        %dma_wait3A_161 = tpu.memref_slice %arg6[%dma_wait3A, %dma_wait3A_159, %dma_wait3A_160] : memref<6x128x128xf32, #tpu.memory_space<vmem>> -> memref<1x128x128xf32, #tpu.memory_space<vmem>>
        %dma_wait3A_162 = tpu.memref_squeeze %dma_wait3A_161 : memref<1x128x128xf32, #tpu.memory_space<vmem>> -> memref<128x128xf32, #tpu.memory_space<vmem>>
        tpu.wait_dma2 semaphore(%arg9 : memref<!tpu.dma_semaphore, #tpu.memory_space<semaphore_mem>>) src(%dma_wait3A_162 : memref<128x128xf32, #tpu.memory_space<vmem>>) dst(%dma_wait3A_158 : memref<128x128xf32, #tpu.memory_space<hbm>>)
      } else {
      }
      %add3A_141 = arith.constant 2 : i32
      %add3A_142 = arith.addi %mul3A_49, %add3A_141 : i32
      %lt3A_143 = arith.constant 51 : i32
      %lt3A_144 = arith.cmpi slt, %add3A_142, %lt3A_143 : i32
      %convert_element_type3A_145 = arith.extui %lt3A_144 : i1 to i32
      %cond3A_146 = arith.constant 0 : i32
      %cond3A_147 = arith.cmpi ne, %convert_element_type3A_145, %cond3A_146 : i32
      scf.if %cond3A_147 {
        %add3A_148 = arith.constant 2 : i32
        %add3A_149 = arith.addi %mul3A_49, %add3A_148 : i32
        %mul3A_150 = arith.constant 3 : i32
        %mul3A_151 = arith.muli %mul3A_150, %add3A_149 : i32
        %add3A_152 = arith.constant 0 : i32
        %add3A_153 = arith.addi %mul3A_151, %add3A_152 : i32
        %lt3A_154 = arith.constant 152 : i32
        %lt3A_155 = arith.cmpi slt, %add3A_153, %lt3A_154 : i32
        %convert_element_type3A_156 = arith.extui %lt3A_155 : i1 to i32
        %cond3A_157 = arith.constant 0 : i32
        %cond3A_158 = arith.cmpi ne, %convert_element_type3A_156, %cond3A_157 : i32
        scf.if %cond3A_158 {
          %dma_start3A_177 = arith.constant 0 : i32
          %dma_start3A_178 = arith.constant 0 : i32
          %dma_start3A_179 = arith.constant 0 : i32
          %dma_start3A_180 = tpu.memref_slice %arg6[%dma_start3A_177, %dma_start3A_178, %dma_start3A_179] : memref<6x128x128xf32, #tpu.memory_space<vmem>> -> memref<1x128x128xf32, #tpu.memory_space<vmem>>
          %dma_start3A_181 = tpu.memref_squeeze %dma_start3A_180 : memref<1x128x128xf32, #tpu.memory_space<vmem>> -> memref<128x128xf32, #tpu.memory_space<vmem>>
          %dma_start3A_182 = arith.constant 0 : i32
          %dma_start3A_183 = tpu.memref_slice %arg5[%add3A_153, %dma_start3A_182] : memref<152x128xi32, #tpu.memory_space<vmem>> -> memref<1x128xi32, #tpu.memory_space<vmem>>
          %dma_start3A_184 = tpu.memref_squeeze %dma_start3A_183 : memref<1x128xi32, #tpu.memory_space<vmem>> -> memref<128xi32, #tpu.memory_space<vmem>>
          %dma_start3A_185 = arith.constant 0 : i32
          %dma_start3A_186 = arith.constant 0 : i32
          %dma_start3A_187 = tpu.memref_slice %arg2[%dma_start3A_185, %dma_start3A_186] : memref<1208x128xf32, #tpu.memory_space<hbm>> -> memref<1208x128xf32, #tpu.memory_space<hbm>>
          tpu.enqueue_indirect_dma source(%dma_start3A_187 : memref<1208x128xf32, #tpu.memory_space<hbm>>) target(%dma_start3A_181 : memref<128x128xf32, #tpu.memory_space<vmem>>) offsets(%dma_start3A_184 : memref<128xi32, #tpu.memory_space<vmem>>) semaphore(%arg7 : memref<!tpu.dma_semaphore, #tpu.memory_space<semaphore_mem>>)
        } else {
        }
        %mul3A_159 = arith.constant 3 : i32
        %mul3A_160 = arith.muli %mul3A_159, %add3A_149 : i32
        %add3A_161 = arith.constant 1 : i32
        %add3A_162 = arith.addi %mul3A_160, %add3A_161 : i32
        %lt3A_163 = arith.constant 152 : i32
        %lt3A_164 = arith.cmpi slt, %add3A_162, %lt3A_163 : i32
        %convert_element_type3A_165 = arith.extui %lt3A_164 : i1 to i32
        %cond3A_166 = arith.constant 0 : i32
        %cond3A_167 = arith.cmpi ne, %convert_element_type3A_165, %cond3A_166 : i32
        scf.if %cond3A_167 {
          %dma_start3A_177 = arith.constant 1 : i32
          %dma_start3A_178 = arith.constant 0 : i32
          %dma_start3A_179 = arith.constant 0 : i32
          %dma_start3A_180 = tpu.memref_slice %arg6[%dma_start3A_177, %dma_start3A_178, %dma_start3A_179] : memref<6x128x128xf32, #tpu.memory_space<vmem>> -> memref<1x128x128xf32, #tpu.memory_space<vmem>>
          %dma_start3A_181 = tpu.memref_squeeze %dma_start3A_180 : memref<1x128x128xf32, #tpu.memory_space<vmem>> -> memref<128x128xf32, #tpu.memory_space<vmem>>
          %dma_start3A_182 = arith.constant 0 : i32
          %dma_start3A_183 = tpu.memref_slice %arg5[%add3A_162, %dma_start3A_182] : memref<152x128xi32, #tpu.memory_space<vmem>> -> memref<1x128xi32, #tpu.memory_space<vmem>>
          %dma_start3A_184 = tpu.memref_squeeze %dma_start3A_183 : memref<1x128xi32, #tpu.memory_space<vmem>> -> memref<128xi32, #tpu.memory_space<vmem>>
          %dma_start3A_185 = arith.constant 0 : i32
          %dma_start3A_186 = arith.constant 0 : i32
          %dma_start3A_187 = tpu.memref_slice %arg2[%dma_start3A_185, %dma_start3A_186] : memref<1208x128xf32, #tpu.memory_space<hbm>> -> memref<1208x128xf32, #tpu.memory_space<hbm>>
          tpu.enqueue_indirect_dma source(%dma_start3A_187 : memref<1208x128xf32, #tpu.memory_space<hbm>>) target(%dma_start3A_181 : memref<128x128xf32, #tpu.memory_space<vmem>>) offsets(%dma_start3A_184 : memref<128xi32, #tpu.memory_space<vmem>>) semaphore(%arg7 : memref<!tpu.dma_semaphore, #tpu.memory_space<semaphore_mem>>)
        } else {
        }
        %mul3A_168 = arith.constant 3 : i32
        %mul3A_169 = arith.muli %mul3A_168, %add3A_149 : i32
        %add3A_170 = arith.constant 2 : i32
        %add3A_171 = arith.addi %mul3A_169, %add3A_170 : i32
        %lt3A_172 = arith.constant 152 : i32
        %lt3A_173 = arith.cmpi slt, %add3A_171, %lt3A_172 : i32
        %convert_element_type3A_174 = arith.extui %lt3A_173 : i1 to i32
        %cond3A_175 = arith.constant 0 : i32
        %cond3A_176 = arith.cmpi ne, %convert_element_type3A_174, %cond3A_175 : i32
        scf.if %cond3A_176 {
          %dma_start3A_177 = arith.constant 2 : i32
          %dma_start3A_178 = arith.constant 0 : i32
          %dma_start3A_179 = arith.constant 0 : i32
          %dma_start3A_180 = tpu.memref_slice %arg6[%dma_start3A_177, %dma_start3A_178, %dma_start3A_179] : memref<6x128x128xf32, #tpu.memory_space<vmem>> -> memref<1x128x128xf32, #tpu.memory_space<vmem>>
          %dma_start3A_181 = tpu.memref_squeeze %dma_start3A_180 : memref<1x128x128xf32, #tpu.memory_space<vmem>> -> memref<128x128xf32, #tpu.memory_space<vmem>>
          %dma_start3A_182 = arith.constant 0 : i32
          %dma_start3A_183 = tpu.memref_slice %arg5[%add3A_171, %dma_start3A_182] : memref<152x128xi32, #tpu.memory_space<vmem>> -> memref<1x128xi32, #tpu.memory_space<vmem>>
          %dma_start3A_184 = tpu.memref_squeeze %dma_start3A_183 : memref<1x128xi32, #tpu.memory_space<vmem>> -> memref<128xi32, #tpu.memory_space<vmem>>
          %dma_start3A_185 = arith.constant 0 : i32
          %dma_start3A_186 = arith.constant 0 : i32
          %dma_start3A_187 = tpu.memref_slice %arg2[%dma_start3A_185, %dma_start3A_186] : memref<1208x128xf32, #tpu.memory_space<hbm>> -> memref<1208x128xf32, #tpu.memory_space<hbm>>
          tpu.enqueue_indirect_dma source(%dma_start3A_187 : memref<1208x128xf32, #tpu.memory_space<hbm>>) target(%dma_start3A_181 : memref<128x128xf32, #tpu.memory_space<vmem>>) offsets(%dma_start3A_184 : memref<128xi32, #tpu.memory_space<vmem>>) semaphore(%arg7 : memref<!tpu.dma_semaphore, #tpu.memory_space<semaphore_mem>>)
        } else {
        }
      } else {
      }
    }
    %scan3A_46 = arith.constant 26 : i32
    return
  }
}

module attributes {stable_mosaic.version = 14 : i64} {
  func.func @_eff_body(%arg0: i32, %arg1: memref<256x200xi32, #tpu.memory_space<vmem>>, %arg2: memref<256x200xi32, #tpu.memory_space<vmem>>) attributes {dimension_semantics = [#tpu.dimension_semantics<arbitrary>], iteration_bounds = array<i64: 16>, scalar_prefetch = 0 : i64, scratch_operands = 0 : i64, tpu.core_type = #tpu.core_type<tc>, window_params = [{transform_indices = @transform_0, window_bounds = array<i64: 256, 200>}, {transform_indices = @transform_1, window_bounds = array<i64: 256, 200>}]} {
    %get3A = arith.constant 0 : index
    %get3A_0 = arith.constant 0 : index
    %get3A_1 = vector.load %arg1[%get3A, %get3A_0] : memref<256x200xi32, #tpu.memory_space<vmem>>, vector<256x200xi32>
    %eq3A = arith.constant 128 : i32
    %eq3A_2 = vector.broadcast %eq3A : i32 to vector<256x200xi32>
    %eq3A_3 = arith.cmpi eq, %get3A_1, %eq3A_2 : vector<256x200xi32>
    %convert_element_type3A = arith.extui %eq3A_3 : vector<256x200xi1> to vector<256x200xi32>
    %convert_element_type3A_4 = arith.sitofp %convert_element_type3A : vector<256x200xi32> to vector<256x200xf32>
    %iota3A = tpu.iota {dimensions = array<i32: 0>} : vector<200x200xi32>
    %iota3A_5 = tpu.iota {dimensions = array<i32: 1>} : vector<200x200xi32>
    %le3A = arith.cmpi sle, %iota3A, %iota3A_5 : vector<200x200xi32>
    %convert_element_type3A_6 = arith.extui %le3A : vector<200x200xi1> to vector<200x200xi32>
    %convert_element_type3A_7 = arith.sitofp %convert_element_type3A_6 : vector<200x200xi32> to vector<200x200xf32>
    %dot_general3A = arith.constant dense<0.000000e+00> : vector<256x200xf32>
    %dot_general3A_8 = tpu.matmul %convert_element_type3A_4, %convert_element_type3A_7, %dot_general3A {dimension_numbers = #tpu.dot_dimension_numbers<[1], [0], [0], [1], [0, 0, 1, 1], [], []>, transpose_lhs_hint = false} : vector<256x200xf32>, vector<200x200xf32>, vector<256x200xf32> -> vector<256x200xf32>
    %convert_element_type3A_9 = arith.fptosi %dot_general3A_8 : vector<256x200xf32> to vector<256x200xi32>
    %sub3A = arith.constant 1 : i32
    %sub3A_10 = vector.broadcast %sub3A : i32 to vector<256x200xi32>
    %sub3A_11 = arith.subi %convert_element_type3A_9, %sub3A_10 : vector<256x200xi32>
    %max3A = arith.constant 0 : i32
    %max3A_12 = vector.broadcast %max3A : i32 to vector<256x200xi32>
    %max3A_13 = arith.maxsi %sub3A_11, %max3A_12 : vector<256x200xi32>
    %add3A = arith.constant 1000 : i32
    %add3A_14 = vector.broadcast %add3A : i32 to vector<256x200xi32>
    %add3A_15 = arith.addi %add3A_14, %max3A_13 : vector<256x200xi32>
    %jit3A = arith.constant 0 : i32
    %jit3A_16 = arith.constant 999 : i32
    %max3A_17 = vector.broadcast %jit3A : i32 to vector<256x200xi32>
    %max3A_18 = arith.maxsi %max3A_17, %get3A_1 : vector<256x200xi32>
    %min3A = vector.broadcast %jit3A_16 : i32 to vector<256x200xi32>
    %min3A_19 = arith.minsi %min3A, %max3A_18 : vector<256x200xi32>
    %select_n3A = arith.select %eq3A_3, %add3A_15, %min3A_19 : vector<256x200xi1>, vector<256x200xi32>
    %swap3A = arith.constant 0 : index
    %swap3A_20 = arith.constant 0 : index
    %swap3A_21 = vector.load %arg2[%swap3A, %swap3A_20] : memref<256x200xi32, #tpu.memory_space<vmem>>, vector<256x200xi32>
    tpu.vector_store %arg2[%swap3A, %swap3A_20], %select_n3A {strides = array<i32>} : memref<256x200xi32, #tpu.memory_space<vmem>>, vector<256x200xi32>,
    return
  }
  func.func @transform_0(%arg0: i32) -> (i32, i32) {
    %c0_i32 = arith.constant 0 : i32
    %c0_i32_0 = arith.constant 0 : i32
    return %arg0, %c0_i32 : i32, i32
  }
  func.func @transform_1(%arg0: i32) -> (i32, i32) {
    %c0_i32 = arith.constant 0 : i32
    %c0_i32_0 = arith.constant 0 : i32
    return %arg0, %c0_i32 : i32, i32
  }
}

module attributes {stable_mosaic.version = 14 : i64} {
  func.func @_table_body(%arg0: memref<1000x128xf32, #tpu.memory_space<vmem>>, %arg1: memref<1x128xf32, #tpu.memory_space<vmem>>, %arg2: memref<1x128xf32, #tpu.memory_space<vmem>>, %arg3: memref<1x128xf32, #tpu.memory_space<vmem>>, %arg4: memref<1208x128xf32, #tpu.memory_space<vmem>>) attributes {dimension_semantics = [], scalar_prefetch = 0 : i64, scratch_operands = 0 : i64, tpu.core_type = #tpu.core_type<tc>} {
    %iota3A = tpu.iota {dimensions = array<i32: 0>} : vector<1208x128xi32>
    %iota3A_0 = tpu.iota {dimensions = array<i32: 1>} : vector<1208x128xi32>
    %jit3A = arith.constant 2 : i32
    %div3A = vector.broadcast %jit3A : i32 to vector<1208x128xi32>
    %div3A_1 = arith.divsi %iota3A_0, %div3A : vector<1208x128xi32>
    %sign3A = arith.constant 0 : i32
    %sign3A_2 = vector.broadcast %sign3A : i32 to vector<1208x128xi32>
    %sign3A_3 = arith.cmpi sgt, %iota3A_0, %sign3A_2 : vector<1208x128xi32>
    %sign3A_4 = arith.extui %sign3A_3 : vector<1208x128xi1> to vector<1208x128xi32>
    %sign3A_5 = arith.constant 0 : i32
    %sign3A_6 = vector.broadcast %sign3A_5 : i32 to vector<1208x128xi32>
    %sign3A_7 = arith.cmpi slt, %iota3A_0, %sign3A_6 : vector<1208x128xi32>
    %sign3A_8 = arith.extui %sign3A_7 : vector<1208x128xi1> to vector<1208x128xi32>
    %sign3A_9 = arith.subi %sign3A_4, %sign3A_8 : vector<1208x128xi32>
    %sign3A_10 = arith.constant 0 : i32
    %sign3A_11 = arith.cmpi sgt, %jit3A, %sign3A_10 : i32
    %sign3A_12 = arith.extui %sign3A_11 : i1 to i32
    %sign3A_13 = arith.constant 0 : i32
    %sign3A_14 = arith.cmpi slt, %jit3A, %sign3A_13 : i32
    %sign3A_15 = arith.extui %sign3A_14 : i1 to i32
    %sign3A_16 = arith.subi %sign3A_12, %sign3A_15 : i32
    %ne3A = vector.broadcast %sign3A_16 : i32 to vector<1208x128xi32>
    %ne3A_17 = arith.cmpi ne, %sign3A_9, %ne3A : vector<1208x128xi32>
    %rem3A = vector.broadcast %jit3A : i32 to vector<1208x128xi32>
    %rem3A_18 = arith.remsi %iota3A_0, %rem3A : vector<1208x128xi32>
    %ne3A_19 = arith.constant 0 : i32
    %ne3A_20 = vector.broadcast %ne3A_19 : i32 to vector<1208x128xi32>
    %ne3A_21 = arith.cmpi ne, %rem3A_18, %ne3A_20 : vector<1208x128xi32>
    %and3A = arith.andi %ne3A_17, %ne3A_21 : vector<1208x128xi1>
    %sub3A = arith.constant 1 : i32
    %sub3A_22 = vector.broadcast %sub3A : i32 to vector<1208x128xi32>
    %sub3A_23 = arith.subi %div3A_1, %sub3A_22 : vector<1208x128xi32>
    %select_n3A = arith.select %and3A, %sub3A_23, %div3A_1 : vector<1208x128xi1>, vector<1208x128xi32>
    %convert_element_type3A = arith.sitofp %select_n3A : vector<1208x128xi32> to vector<1208x128xf32>
    %mul3A = arith.constant -1.562500e-02 : f32
    %mul3A_24 = vector.broadcast %mul3A : f32 to vector<1208x128xf32>
    %mul3A_25 = arith.mulf %convert_element_type3A, %mul3A_24 : vector<1208x128xf32>
    %log3A = arith.constant 1.000000e+04 : f32
    %log3A_26 = math.log %log3A : f32
    %mul3A_27 = vector.broadcast %log3A_26 : f32 to vector<1208x128xf32>
    %mul3A_28 = arith.mulf %mul3A_25, %mul3A_27 : vector<1208x128xf32>
    %exp3A = math.exp %mul3A_28 : vector<1208x128xf32>
    %lt3A = arith.constant 128 : i32
    %lt3A_29 = vector.broadcast %lt3A : i32 to vector<1208x128xi32>
    %lt3A_30 = arith.cmpi slt, %iota3A, %lt3A_29 : vector<1208x128xi32>
    %ge3A = arith.constant 129 : i32
    %ge3A_31 = vector.broadcast %ge3A : i32 to vector<1208x128xi32>
    %ge3A_32 = arith.cmpi sge, %iota3A, %ge3A_31 : vector<1208x128xi32>
    %lt3A_33 = arith.constant 161 : i32
    %lt3A_34 = vector.broadcast %lt3A_33 : i32 to vector<1208x128xi32>
    %lt3A_35 = arith.cmpi slt, %iota3A, %lt3A_34 : vector<1208x128xi32>
    %and3A_36 = arith.andi %ge3A_32, %lt3A_35 : vector<1208x128xi1>
    %sub3A_37 = arith.constant 129 : i32
    %sub3A_38 = vector.broadcast %sub3A_37 : i32 to vector<1208x128xi32>
    %sub3A_39 = arith.subi %iota3A, %sub3A_38 : vector<1208x128xi32>
    %sub3A_40 = arith.constant 1000 : i32
    %sub3A_41 = vector.broadcast %sub3A_40 : i32 to vector<1208x128xi32>
    %sub3A_42 = arith.subi %iota3A, %sub3A_41 : vector<1208x128xi32>
    %select_n3A_43 = arith.select %and3A_36, %sub3A_39, %sub3A_42 : vector<1208x128xi1>, vector<1208x128xi32>
    %select_n3A_44 = arith.select %lt3A_30, %iota3A, %select_n3A_43 : vector<1208x128xi1>, vector<1208x128xi32>
    %convert_element_type3A_45 = arith.sitofp %select_n3A_44 : vector<1208x128xi32> to vector<1208x128xf32>
    %mul3A_46 = arith.mulf %convert_element_type3A_45, %exp3A : vector<1208x128xf32>
    %jit3A_47 = arith.constant 2 : i32
    %eq3A = arith.constant 0 : i32
    %eq3A_48 = arith.cmpi eq, %jit3A_47, %eq3A : i32
    %jit3A_49 = arith.constant 1 : i32
    %select_n3A_50 = arith.select %eq3A_48, %jit3A_49, %jit3A_47 : i32
    %rem3A_51 = vector.broadcast %select_n3A_50 : i32 to vector<1208x128xi32>
    %rem3A_52 = arith.remsi %iota3A_0, %rem3A_51 : vector<1208x128xi32>
    %ne3A_53 = arith.constant 0 : i32
    %ne3A_54 = vector.broadcast %ne3A_53 : i32 to vector<1208x128xi32>
    %ne3A_55 = arith.cmpi ne, %rem3A_52, %ne3A_54 : vector<1208x128xi32>
    %lt3A_56 = arith.constant 0 : i32
    %lt3A_57 = vector.broadcast %lt3A_56 : i32 to vector<1208x128xi32>
    %lt3A_58 = arith.cmpi slt, %rem3A_52, %lt3A_57 : vector<1208x128xi32>
    %lt3A_59 = arith.constant 0 : i32
    %lt3A_60 = arith.cmpi slt, %select_n3A_50, %lt3A_59 : i32
    %ne3A_61 = vector.broadcast %lt3A_60 : i1 to vector<1208x128xi1>
    %ne3A_62 = vector.broadcast %ne3A_61 : vector<1208x128xi1> to vector<1208x128xi1>
    %ne3A_63 = arith.xori %lt3A_58, %ne3A_62 : vector<1208x128xi1>
    %and3A_64 = arith.andi %ne3A_63, %ne3A_55 : vector<1208x128xi1>
    %add3A = vector.broadcast %select_n3A_50 : i32 to vector<1208x128xi32>
    %add3A_65 = arith.addi %rem3A_52, %add3A : vector<1208x128xi32>
    %select_n3A_66 = arith.select %and3A_64, %add3A_65, %rem3A_52 : vector<1208x128xi1>, vector<1208x128xi32>
    %eq3A_67 = arith.constant 0 : i32
    %eq3A_68 = vector.broadcast %eq3A_67 : i32 to vector<1208x128xi32>
    %eq3A_69 = arith.cmpi eq, %select_n3A_66, %eq3A_68 : vector<1208x128xi32>
    %get3A = arith.constant 0 : index
    %get3A_70 = arith.constant 0 : index
    %get3A_71 = vector.load %arg1[%get3A, %get3A_70] : memref<1x128xf32, #tpu.memory_space<vmem>>, vector<1x128xf32>
    %get3A_72 = arith.constant 0 : index
    %get3A_73 = arith.constant 0 : index
    %get3A_74 = vector.load %arg2[%get3A_72, %get3A_73] : memref<1x128xf32, #tpu.memory_space<vmem>>, vector<1x128xf32>
    %get3A_75 = arith.constant 0 : index
    %get3A_76 = arith.constant 0 : index
    %get3A_77 = vector.load %arg3[%get3A_75, %get3A_76] : memref<1x128xf32, #tpu.memory_space<vmem>>, vector<1x128xf32>
    %broadcast_in_dim3A = vector.shape_cast %get3A_74 : vector<1x128xf32> to vector<1x128xf32>
    %broadcast_in_dim3A_78 = vector.broadcast %broadcast_in_dim3A : vector<1x128xf32> to vector<1208x128xf32>
    %broadcast_in_dim3A_79 = vector.shape_cast %get3A_77 : vector<1x128xf32> to vector<1x128xf32>
    %broadcast_in_dim3A_80 = vector.broadcast %broadcast_in_dim3A_79 : vector<1x128xf32> to vector<1208x128xf32>
    %select_n3A_81 = arith.select %and3A_36, %broadcast_in_dim3A_78, %broadcast_in_dim3A_80 : vector<1208x128xi1>, vector<1208x128xf32>
    %broadcast_in_dim3A_82 = vector.shape_cast %get3A_71 : vector<1x128xf32> to vector<1x128xf32>
    %broadcast_in_dim3A_83 = vector.broadcast %broadcast_in_dim3A_82 : vector<1x128xf32> to vector<1208x128xf32>
    %select_n3A_84 = arith.select %lt3A_30, %broadcast_in_dim3A_83, %select_n3A_81 : vector<1208x128xi1>, vector<1208x128xf32>
    %sin3A = math.sin %mul3A_46 : vector<1208x128xf32>
    %cos3A = math.cos %mul3A_46 : vector<1208x128xf32>
    %select_n3A_85 = arith.select %eq3A_69, %sin3A, %cos3A : vector<1208x128xi1>, vector<1208x128xf32>
    %add3A_86 = arith.addf %select_n3A_85, %select_n3A_84 : vector<1208x128xf32>
    %or3A = arith.ori %lt3A_30, %and3A_36 : vector<1208x128xi1>
    %slice3A = vector.extract_strided_slice %or3A {offsets = [0, 0], sizes = [1000, 128], strides = [1, 1]} : vector<1208x128xi1> to vector<1000x128xi1>
    %slice3A_87 = vector.extract_strided_slice %add3A_86 {offsets = [0, 0], sizes = [1000, 128], strides = [1, 1]} : vector<1208x128xf32> to vector<1000x128xf32>
    %get3A_88 = arith.constant 0 : index
    %get3A_89 = arith.constant 0 : index
    %get3A_90 = vector.load %arg0[%get3A_88, %get3A_89] : memref<1000x128xf32, #tpu.memory_space<vmem>>, vector<1000x128xf32>
    %select_n3A_91 = arith.select %slice3A, %slice3A_87, %get3A_90 : vector<1000x128xi1>, vector<1000x128xf32>
    %swap3A = arith.constant 0 : index
    %swap3A_92 = arith.constant 0 : index
    %swap3A_93 = vector.load %arg4[%swap3A, %swap3A_92] : memref<1208x128xf32, #tpu.memory_space<vmem>>, vector<1000x128xf32>
    tpu.vector_store %arg4[%swap3A, %swap3A_92], %select_n3A_91 {strides = array<i32>} : memref<1208x128xf32, #tpu.memory_space<vmem>>, vector<1000x128xf32>,
    %slice3A_94 = vector.extract_strided_slice %add3A_86 {offsets = [1000, 0], sizes = [208, 128], strides = [1, 1]} : vector<1208x128xf32> to vector<208x128xf32>
    %swap3A_95 = arith.constant 1000 : index
    %swap3A_96 = arith.constant 0 : index
    %swap3A_97 = vector.load %arg4[%swap3A_95, %swap3A_96] : memref<1208x128xf32, #tpu.memory_space<vmem>>, vector<208x128xf32>
    tpu.vector_store %arg4[%swap3A_95, %swap3A_96], %slice3A_94 {strides = array<i32>} : memref<1208x128xf32, #tpu.memory_space<vmem>>, vector<208x128xf32>,
    return
  }
}

module attributes {stable_mosaic.version = 14 : i64} {
  func.func @_bf16_body(%arg0: memref<1208x128xf32, #tpu.memory_space<vmem>>, %arg1: memref<1208x128xbf16, #tpu.memory_space<vmem>>) attributes {dimension_semantics = [], scalar_prefetch = 0 : i64, scratch_operands = 0 : i64, tpu.core_type = #tpu.core_type<tc>} {
    %get3A = arith.constant 0 : index
    %get3A_0 = arith.constant 0 : index
    %get3A_1 = vector.load %arg0[%get3A, %get3A_0] : memref<1208x128xf32, #tpu.memory_space<vmem>>, vector<1208x128xf32>
    %convert_element_type3A = arith.truncf %get3A_1 : vector<1208x128xf32> to vector<1208x128xbf16>
    %swap3A = arith.constant 0 : index
    %swap3A_2 = arith.constant 0 : index
    %swap3A_3 = vector.load %arg1[%swap3A, %swap3A_2] : memref<1208x128xbf16, #tpu.memory_space<vmem>>, vector<1208x128xbf16>
    tpu.vector_store %arg1[%swap3A, %swap3A_2], %convert_element_type3A {strides = array<i32>} : memref<1208x128xbf16, #tpu.memory_space<vmem>>, vector<1208x128xbf16>,
    return
  }
}

module attributes {stable_mosaic.version = 14 : i64} {
  func.func @_tc_body(%arg0: i32, %arg1: memref<8x128xi32, #tpu.memory_space<vmem>>, %arg2: memref<1208x128xbf16, #tpu.memory_space<vmem>>, %arg3: memref<1024x128xf32, #tpu.memory_space<vmem>>) attributes {dimension_semantics = [#tpu.dimension_semantics<arbitrary>], iteration_bounds = array<i64: 192>, scalar_prefetch = 0 : i64, scratch_operands = 0 : i64, tpu.core_type = #tpu.core_type<tc>, window_params = [{transform_indices = @transform_0, window_bounds = array<i64: 8, 128>}, {pipeline_mode = #tpu.pipeline_mode<synchronous>, transform_indices = @transform_1, window_bounds = array<i64: 1208, 128>}, {transform_indices = @transform_2, window_bounds = array<i64: 1024, 128>}]} {
    %get3A = arith.constant 0 : index
    %get3A_0 = arith.constant 0 : index
    %get3A_1 = vector.load %arg2[%get3A, %get3A_0] : memref<1208x128xbf16, #tpu.memory_space<vmem>>, vector<1208x128xbf16>
    %iota3A = tpu.iota {dimensions = array<i32: 0>} : vector<1208x128xi32>
    %get3A_2 = arith.constant 0 : index
    %get3A_3 = arith.constant 0 : index
    %get3A_4 = vector.load %arg1[%get3A_2, %get3A_3] : memref<8x128xi32, #tpu.memory_space<vmem>>, vector<1x128xi32>
    %eq3A = vector.broadcast %get3A_4 : vector<1x128xi32> to vector<1208x128xi32>
    %eq3A_5 = arith.cmpi eq, %iota3A, %eq3A : vector<1208x128xi32>
    %convert_element_type3A = arith.extui %eq3A_5 : vector<1208x128xi1> to vector<1208x128xi32>
    %convert_element_type3A_6 = arith.sitofp %convert_element_type3A : vector<1208x128xi32> to vector<1208x128xf32>
    %convert_element_type3A_7 = arith.truncf %convert_element_type3A_6 : vector<1208x128xf32> to vector<1208x128xbf16>
    %dot_general3A = arith.constant dense<0.000000e+00> : vector<128x128xf32>
    %dot_general3A_8 = tpu.matmul %convert_element_type3A_7, %get3A_1, %dot_general3A {dimension_numbers = #tpu.dot_dimension_numbers<[0], [0], [1], [1], [0, 1, 1, 1], [], []>, transpose_lhs_hint = false} : vector<1208x128xbf16>, vector<1208x128xbf16>, vector<128x128xf32> -> vector<128x128xf32>
    %swap3A = arith.constant 0 : index
    %swap3A_9 = arith.constant 0 : index
    %swap3A_10 = vector.load %arg3[%swap3A, %swap3A_9] : memref<1024x128xf32, #tpu.memory_space<vmem>>, vector<128x128xf32>
    tpu.vector_store %arg3[%swap3A, %swap3A_9], %dot_general3A_8 {strides = array<i32>} : memref<1024x128xf32, #tpu.memory_space<vmem>>, vector<128x128xf32>,
    %get3A_11 = arith.constant 1 : index
    %get3A_12 = arith.constant 0 : index
    %get3A_13 = vector.load %arg1[%get3A_11, %get3A_12] : memref<8x128xi32, #tpu.memory_space<vmem>>, vector<1x128xi32>
    %eq3A_14 = vector.broadcast %get3A_13 : vector<1x128xi32> to vector<1208x128xi32>
    %eq3A_15 = arith.cmpi eq, %iota3A, %eq3A_14 : vector<1208x128xi32>
    %convert_element_type3A_16 = arith.extui %eq3A_15 : vector<1208x128xi1> to vector<1208x128xi32>
    %convert_element_type3A_17 = arith.sitofp %convert_element_type3A_16 : vector<1208x128xi32> to vector<1208x128xf32>
    %convert_element_type3A_18 = arith.truncf %convert_element_type3A_17 : vector<1208x128xf32> to vector<1208x128xbf16>
    %dot_general3A_19 = arith.constant dense<0.000000e+00> : vector<128x128xf32>
    %dot_general3A_20 = tpu.matmul %convert_element_type3A_18, %get3A_1, %dot_general3A_19 {dimension_numbers = #tpu.dot_dimension_numbers<[0], [0], [1], [1], [0, 1, 1, 1], [], []>, transpose_lhs_hint = false} : vector<1208x128xbf16>, vector<1208x128xbf16>, vector<128x128xf32> -> vector<128x128xf32>
    %swap3A_21 = arith.constant 128 : index
    %swap3A_22 = arith.constant 0 : index
    %swap3A_23 = vector.load %arg3[%swap3A_21, %swap3A_22] : memref<1024x128xf32, #tpu.memory_space<vmem>>, vector<128x128xf32>
    tpu.vector_store %arg3[%swap3A_21, %swap3A_22], %dot_general3A_20 {strides = array<i32>} : memref<1024x128xf32, #tpu.memory_space<vmem>>, vector<128x128xf32>,
    %get3A_24 = arith.constant 2 : index
    %get3A_25 = arith.constant 0 : index
    %get3A_26 = vector.load %arg1[%get3A_24, %get3A_25] : memref<8x128xi32, #tpu.memory_space<vmem>>, vector<1x128xi32>
    %eq3A_27 = vector.broadcast %get3A_26 : vector<1x128xi32> to vector<1208x128xi32>
    %eq3A_28 = arith.cmpi eq, %iota3A, %eq3A_27 : vector<1208x128xi32>
    %convert_element_type3A_29 = arith.extui %eq3A_28 : vector<1208x128xi1> to vector<1208x128xi32>
    %convert_element_type3A_30 = arith.sitofp %convert_element_type3A_29 : vector<1208x128xi32> to vector<1208x128xf32>
    %convert_element_type3A_31 = arith.truncf %convert_element_type3A_30 : vector<1208x128xf32> to vector<1208x128xbf16>
    %dot_general3A_32 = arith.constant dense<0.000000e+00> : vector<128x128xf32>
    %dot_general3A_33 = tpu.matmul %convert_element_type3A_31, %get3A_1, %dot_general3A_32 {dimension_numbers = #tpu.dot_dimension_numbers<[0], [0], [1], [1], [0, 1, 1, 1], [], []>, transpose_lhs_hint = false} : vector<1208x128xbf16>, vector<1208x128xbf16>, vector<128x128xf32> -> vector<128x128xf32>
    %swap3A_34 = arith.constant 256 : index
    %swap3A_35 = arith.constant 0 : index
    %swap3A_36 = vector.load %arg3[%swap3A_34, %swap3A_35] : memref<1024x128xf32, #tpu.memory_space<vmem>>, vector<128x128xf32>
    tpu.vector_store %arg3[%swap3A_34, %swap3A_35], %dot_general3A_33 {strides = array<i32>} : memref<1024x128xf32, #tpu.memory_space<vmem>>, vector<128x128xf32>,
    %get3A_37 = arith.constant 3 : index
    %get3A_38 = arith.constant 0 : index
    %get3A_39 = vector.load %arg1[%get3A_37, %get3A_38] : memref<8x128xi32, #tpu.memory_space<vmem>>, vector<1x128xi32>
    %eq3A_40 = vector.broadcast %get3A_39 : vector<1x128xi32> to vector<1208x128xi32>
    %eq3A_41 = arith.cmpi eq, %iota3A, %eq3A_40 : vector<1208x128xi32>
    %convert_element_type3A_42 = arith.extui %eq3A_41 : vector<1208x128xi1> to vector<1208x128xi32>
    %convert_element_type3A_43 = arith.sitofp %convert_element_type3A_42 : vector<1208x128xi32> to vector<1208x128xf32>
    %convert_element_type3A_44 = arith.truncf %convert_element_type3A_43 : vector<1208x128xf32> to vector<1208x128xbf16>
    %dot_general3A_45 = arith.constant dense<0.000000e+00> : vector<128x128xf32>
    %dot_general3A_46 = tpu.matmul %convert_element_type3A_44, %get3A_1, %dot_general3A_45 {dimension_numbers = #tpu.dot_dimension_numbers<[0], [0], [1], [1], [0, 1, 1, 1], [], []>, transpose_lhs_hint = false} : vector<1208x128xbf16>, vector<1208x128xbf16>, vector<128x128xf32> -> vector<128x128xf32>
    %swap3A_47 = arith.constant 384 : index
    %swap3A_48 = arith.constant 0 : index
    %swap3A_49 = vector.load %arg3[%swap3A_47, %swap3A_48] : memref<1024x128xf32, #tpu.memory_space<vmem>>, vector<128x128xf32>
    tpu.vector_store %arg3[%swap3A_47, %swap3A_48], %dot_general3A_46 {strides = array<i32>} : memref<1024x128xf32, #tpu.memory_space<vmem>>, vector<128x128xf32>,
    %get3A_50 = arith.constant 4 : index
    %get3A_51 = arith.constant 0 : index
    %get3A_52 = vector.load %arg1[%get3A_50, %get3A_51] : memref<8x128xi32, #tpu.memory_space<vmem>>, vector<1x128xi32>
    %eq3A_53 = vector.broadcast %get3A_52 : vector<1x128xi32> to vector<1208x128xi32>
    %eq3A_54 = arith.cmpi eq, %iota3A, %eq3A_53 : vector<1208x128xi32>
    %convert_element_type3A_55 = arith.extui %eq3A_54 : vector<1208x128xi1> to vector<1208x128xi32>
    %convert_element_type3A_56 = arith.sitofp %convert_element_type3A_55 : vector<1208x128xi32> to vector<1208x128xf32>
    %convert_element_type3A_57 = arith.truncf %convert_element_type3A_56 : vector<1208x128xf32> to vector<1208x128xbf16>
    %dot_general3A_58 = arith.constant dense<0.000000e+00> : vector<128x128xf32>
    %dot_general3A_59 = tpu.matmul %convert_element_type3A_57, %get3A_1, %dot_general3A_58 {dimension_numbers = #tpu.dot_dimension_numbers<[0], [0], [1], [1], [0, 1, 1, 1], [], []>, transpose_lhs_hint = false} : vector<1208x128xbf16>, vector<1208x128xbf16>, vector<128x128xf32> -> vector<128x128xf32>
    %swap3A_60 = arith.constant 512 : index
    %swap3A_61 = arith.constant 0 : index
    %swap3A_62 = vector.load %arg3[%swap3A_60, %swap3A_61] : memref<1024x128xf32, #tpu.memory_space<vmem>>, vector<128x128xf32>
    tpu.vector_store %arg3[%swap3A_60, %swap3A_61], %dot_general3A_59 {strides = array<i32>} : memref<1024x128xf32, #tpu.memory_space<vmem>>, vector<128x128xf32>,
    %get3A_63 = arith.constant 5 : index
    %get3A_64 = arith.constant 0 : index
    %get3A_65 = vector.load %arg1[%get3A_63, %get3A_64] : memref<8x128xi32, #tpu.memory_space<vmem>>, vector<1x128xi32>
    %eq3A_66 = vector.broadcast %get3A_65 : vector<1x128xi32> to vector<1208x128xi32>
    %eq3A_67 = arith.cmpi eq, %iota3A, %eq3A_66 : vector<1208x128xi32>
    %convert_element_type3A_68 = arith.extui %eq3A_67 : vector<1208x128xi1> to vector<1208x128xi32>
    %convert_element_type3A_69 = arith.sitofp %convert_element_type3A_68 : vector<1208x128xi32> to vector<1208x128xf32>
    %convert_element_type3A_70 = arith.truncf %convert_element_type3A_69 : vector<1208x128xf32> to vector<1208x128xbf16>
    %dot_general3A_71 = arith.constant dense<0.000000e+00> : vector<128x128xf32>
    %dot_general3A_72 = tpu.matmul %convert_element_type3A_70, %get3A_1, %dot_general3A_71 {dimension_numbers = #tpu.dot_dimension_numbers<[0], [0], [1], [1], [0, 1, 1, 1], [], []>, transpose_lhs_hint = false} : vector<1208x128xbf16>, vector<1208x128xbf16>, vector<128x128xf32> -> vector<128x128xf32>
    %swap3A_73 = arith.constant 640 : index
    %swap3A_74 = arith.constant 0 : index
    %swap3A_75 = vector.load %arg3[%swap3A_73, %swap3A_74] : memref<1024x128xf32, #tpu.memory_space<vmem>>, vector<128x128xf32>
    tpu.vector_store %arg3[%swap3A_73, %swap3A_74], %dot_general3A_72 {strides = array<i32>} : memref<1024x128xf32, #tpu.memory_space<vmem>>, vector<128x128xf32>,
    %get3A_76 = arith.constant 6 : index
    %get3A_77 = arith.constant 0 : index
    %get3A_78 = vector.load %arg1[%get3A_76, %get3A_77] : memref<8x128xi32, #tpu.memory_space<vmem>>, vector<1x128xi32>
    %eq3A_79 = vector.broadcast %get3A_78 : vector<1x128xi32> to vector<1208x128xi32>
    %eq3A_80 = arith.cmpi eq, %iota3A, %eq3A_79 : vector<1208x128xi32>
    %convert_element_type3A_81 = arith.extui %eq3A_80 : vector<1208x128xi1> to vector<1208x128xi32>
    %convert_element_type3A_82 = arith.sitofp %convert_element_type3A_81 : vector<1208x128xi32> to vector<1208x128xf32>
    %convert_element_type3A_83 = arith.truncf %convert_element_type3A_82 : vector<1208x128xf32> to vector<1208x128xbf16>
    %dot_general3A_84 = arith.constant dense<0.000000e+00> : vector<128x128xf32>
    %dot_general3A_85 = tpu.matmul %convert_element_type3A_83, %get3A_1, %dot_general3A_84 {dimension_numbers = #tpu.dot_dimension_numbers<[0], [0], [1], [1], [0, 1, 1, 1], [], []>, transpose_lhs_hint = false} : vector<1208x128xbf16>, vector<1208x128xbf16>, vector<128x128xf32> -> vector<128x128xf32>
    %swap3A_86 = arith.constant 768 : index
    %swap3A_87 = arith.constant 0 : index
    %swap3A_88 = vector.load %arg3[%swap3A_86, %swap3A_87] : memref<1024x128xf32, #tpu.memory_space<vmem>>, vector<128x128xf32>
    tpu.vector_store %arg3[%swap3A_86, %swap3A_87], %dot_general3A_85 {strides = array<i32>} : memref<1024x128xf32, #tpu.memory_space<vmem>>, vector<128x128xf32>,
    %get3A_89 = arith.constant 7 : index
    %get3A_90 = arith.constant 0 : index
    %get3A_91 = vector.load %arg1[%get3A_89, %get3A_90] : memref<8x128xi32, #tpu.memory_space<vmem>>, vector<1x128xi32>
    %eq3A_92 = vector.broadcast %get3A_91 : vector<1x128xi32> to vector<1208x128xi32>
    %eq3A_93 = arith.cmpi eq, %iota3A, %eq3A_92 : vector<1208x128xi32>
    %convert_element_type3A_94 = arith.extui %eq3A_93 : vector<1208x128xi1> to vector<1208x128xi32>
    %convert_element_type3A_95 = arith.sitofp %convert_element_type3A_94 : vector<1208x128xi32> to vector<1208x128xf32>
    %convert_element_type3A_96 = arith.truncf %convert_element_type3A_95 : vector<1208x128xf32> to vector<1208x128xbf16>
    %dot_general3A_97 = arith.constant dense<0.000000e+00> : vector<128x128xf32>
    %dot_general3A_98 = tpu.matmul %convert_element_type3A_96, %get3A_1, %dot_general3A_97 {dimension_numbers = #tpu.dot_dimension_numbers<[0], [0], [1], [1], [0, 1, 1, 1], [], []>, transpose_lhs_hint = false} : vector<1208x128xbf16>, vector<1208x128xbf16>, vector<128x128xf32> -> vector<128x128xf32>
    %swap3A_99 = arith.constant 896 : index
    %swap3A_100 = arith.constant 0 : index
    %swap3A_101 = vector.load %arg3[%swap3A_99, %swap3A_100] : memref<1024x128xf32, #tpu.memory_space<vmem>>, vector<128x128xf32>
    tpu.vector_store %arg3[%swap3A_99, %swap3A_100], %dot_general3A_98 {strides = array<i32>} : memref<1024x128xf32, #tpu.memory_space<vmem>>, vector<128x128xf32>,
    return
  }
  func.func @transform_0(%arg0: i32) -> (i32, i32) {
    %c0_i32 = arith.constant 0 : i32
    %c0_i32_0 = arith.constant 0 : i32
    return %arg0, %c0_i32 : i32, i32
  }
  func.func @transform_1(%arg0: i32) -> (i32, i32) {
    %c0_i32 = arith.constant 0 : i32
    %c0_i32_0 = arith.constant 0 : i32
    %c0_i32_1 = arith.constant 0 : i32
    return %c0_i32, %c0_i32_0 : i32, i32
  }
  func.func @transform_2(%arg0: i32) -> (i32, i32) {
    %c0_i32 = arith.constant 0 : i32
    %c0_i32_0 = arith.constant 0 : i32
    return %arg0, %c0_i32 : i32, i32
  }
}

</mosaic_0001>

<sc_bundles>
// kernel: kernel.7.cloned.1.call-start
scs
__scs_entry_jumppad:
0x0: {  	(pc) =	sbr.rel $0x88, $3  }
0x1: {  	(tag) =	ssettag $0x0;
	lr =	simm.s32 $0x1  }
0x2: {  	[smem:$0x3F9C] =	sst lr;
	_ =	strace $0xD0000000  }
0x3: {  	_ = 	snop  }
0x4: {  	_ = 	snop  }
0x5: {  	_ = 	snop  }
0x6: {  	_ = 	snop  }
0x7: {  	_ = 	snop  }
__scs_overlays_trampoline_lowered:
0x8: {  	[smem:$0x3FAB] =	sst s0  }
0x9: {  	[smem:$0x3FAC] =	sst s1  }
0xa: {  	[smem:$0x3FAD] =	sst s2  }
0xb: {  	[smem:$0x3FAE] =	sst s3  }
0xc: {  	[smem:$0x3FAF] =	sst s4  }
0xd: {  	[smem:$0x3FB0] =	sst s5  }
0xe: {  	[smem:$0x3FB1] =	sst s6  }
0xf: {  	[smem:$0x3FB2] =	sst s7  }
0x10: {  	[smem:$0x3FB3] =	sst s8  }
0x11: {  	[smem:$0x3FB4] =	sst s9;
	s0 =	simm.s32 @!p0 $0x0  }
0x12: {  	s1 =	sld [smem:$0x3F9A];
	s0 =	simm.s32 @p0 $0x1  }
0x13: {  	[smem:$0x3FB5] =	sst s0;
	s0 =	simm.s32 @!p1 $0x0  }
0x14: {  	s2 =	sld [smem:$0x3F99];
	s0 =	simm.s32 @p1 $0x1  }
0x15: {  	[smem:$0x3FB6] =	sst s0;
	s0 =	simm.s32 @!p2 $0x0  }
0x16: {  	s3 =	sld [smem:$0x3FDB];
	s0 =	simm.s32 @p2 $0x1  }
0x17: {  	s4 =	simm.s32 $0x1BF5;
	[smem:$0x3FB8] =	sst s0  }
0x18: {  	s0 =	sld [smem:$0x3F9B];
	_ =	swait.ge [sflag:s4], $0x0  }
0x19: {  	s7 =	sld [smem:$0x3F9C]  }
0x1a: {  	s8 =	sadd.s32 $0xFFFFE003, lr  }
0x1b: {  	s9 =	sadd.s32 $0xFFFFFEF7, lr;
	s5 =	simm.s32 $0xFFFFFFFF;
	p2 =	slt.u32 s8, $0xFFFFF086  }
0x1c: {  	p1 =	slt.u32 s9, $0xF7A;
	s5 =	simm.s32 @!p2 $0x0  }
0x1d: {  	s5 =	simm.s32 @p1 $0x1;
	p0 =	seq.s32 s7, s2  }
0x1e: {  	s7 =	smul.u32 @!p0 $0xF7A, s2;
	p2 =	seq.s32 @!p0 s5, $0x0  }
0x1f: {  	s9 =	smul.u32 $0xF7A, s1;
	s8 =	simm.s32 @!p0 $0x1BF5;
	p2 =	por !p2, p0  }
0x20: {  	[sflag:s8] =	ssyncset.s32 @!p0 $0xFFFFF086;
	s6 =	sadd.s32 @!p0 s3, s7;
	s7 =	simm.s32 @!p0 $0x108  }
0x21: {  	s3 =	sadd.s32 s3, s9;
	s6 =	sadd.s32 @!p0 $0x88, s6;
	s7 =	simm.s32 @p2 $0x1082  }
0x22: {  	[simem:s7], [sflag:s8] =	dma.local @!p0 [hbm:s6], $0xF7A  }
0x23: {  	s9 =	sor.u32 $0xD0000000, s2;
	s6 =	simm.s32 $0x108;
	_ =	swait.ge @!p0 [sflag:s8], $0x0  }
0x24: {  	s3 =	sadd.s32 $0x88, s3;
	s6 =	simm.s32 @!p1 $0x1082;
	[sflag:s4] =	ssyncset.s32 $0xFFFFF086  }
0x25: {  	[simem:s6], [sflag:s4] =	dma.local [hbm:s3], $0xF7A  }
0x26: {  	[smem:$0x3F9C] =	sst s1;
	(tag) =	ssettag s2;
	_ =	strace s9  }
0x27: {  	s1 =	sld [smem:$0x3FAC]  }
0x28: {  	s2 =	sld [smem:$0x3FAD]  }
0x29: {  	s4 =	sld [smem:$0x3FAF]  }
0x2a: {  	p0 =	seq.s32 s5, $0x0;
	s5 =	sld [smem:$0x3FB0]  }
0x2b: {  	s6 =	sld [smem:$0x3FB1]  }
0x2c: {  	s7 =	sld [smem:$0x3FB2]  }
0x2d: {  	s3 =	simm.s32 $0x108;
	s8 =	sld [smem:$0x3FB3]  }
0x2e: {  	s3 =	simm.s32 @!p0 $0x1082;
	s9 =	sld [smem:$0x3FB4]  }
0x2f: {  	lr =	sadd.s32 s0, s3;
	s0 =	sld [smem:$0x3FAB]  }
0x30: {  	s3 =	sld [smem:$0x3FAE]  }
0x31: {  	[smem:$0x3FB7] =	sst s10  }
0x32: {  	s10 =	sld [smem:$0x3FB5];
	_ =	sdelay $0x3  }
0x33: {  	p0 =	seq.s32 s10, $0x1;
	s10 =	sld [smem:$0x3FB7];
	_ =	sdelay $0x3  }
0x34: {  	[smem:$0x3FB7] =	sst s10  }
0x35: {  	s10 =	sld [smem:$0x3FB6];
	_ =	sdelay $0x3  }
0x36: {  	p1 =	seq.s32 s10, $0x1;
	s10 =	sld [smem:$0x3FB7];
	_ =	sdelay $0x3  }
0x37: {  	[smem:$0x3FB7] =	sst s10  }
0x38: {  	s10 =	sld [smem:$0x3FB8]  }
0x39: {  	_ = 	snop;
	(pc) =	sbr.ind lr, $3  }
0x3a: {  	_ = 	snop  }
0x3b: {  	_ = 	snop  }
0x3c: {  	p2 =	seq.s32 s10, $0x1;
	s10 =	sld [smem:$0x3FB7]  }
0x3d: {  	_ =	shalt  }
0x3e: {  	_ =	shalt  }
0x3f: {  	_ =	shalt  }
0x40: {  	_ =	shalt  }
0x41: {  	_ =	shalt  }
0x42: {  	_ =	shalt  }
0x43: {  	_ =	shalt  }
0x44: {  	_ =	shalt  }
0x45: {  	_ =	shalt  }
0x46: {  	_ =	shalt  }
0x47: {  	_ =	shalt  }
0x48: {  	_ =	shalt  }
0x49: {  	_ =	shalt  }
0x4a: {  	_ =	shalt  }
0x4b: {  	_ =	shalt  }
0x4c: {  	_ =	shalt  }
0x4d: {  	_ =	shalt  }
0x4e: {  	_ =	shalt  }
0x4f: {  	_ =	shalt  }
0x50: {  	_ =	shalt  }
0x51: {  	_ =	shalt  }
0x52: {  	_ =	shalt  }
0x53: {  	_ =	shalt  }
0x54: {  	_ =	shalt  }
0x55: {  	_ =	shalt  }
0x56: {  	_ =	shalt  }
0x57: {  	_ =	shalt  }
0x58: {  	_ =	shalt  }
0x59: {  	_ =	shalt  }
0x5a: {  	_ =	shalt  }
0x5b: {  	_ =	shalt  }
0x5c: {  	_ =	shalt  }
0x5d: {  	_ =	shalt  }
0x5e: {  	_ =	shalt  }
0x5f: {  	_ =	shalt  }
0x60: {  	_ =	shalt  }
0x61: {  	_ =	shalt  }
0x62: {  	_ =	shalt  }
0x63: {  	_ =	shalt  }
0x64: {  	_ =	shalt  }
0x65: {  	_ =	shalt  }
0x66: {  	_ =	shalt  }
0x67: {  	_ =	shalt  }
0x68: {  	_ =	shalt  }
0x69: {  	_ =	shalt  }
0x6a: {  	_ =	shalt  }
0x6b: {  	_ =	shalt  }
0x6c: {  	_ =	shalt  }
0x6d: {  	_ =	shalt  }
0x6e: {  	_ =	shalt  }
0x6f: {  	_ =	shalt  }
0x70: {  	_ =	shalt  }
0x71: {  	_ =	shalt  }
0x72: {  	_ =	shalt  }
0x73: {  	_ =	shalt  }
0x74: {  	_ =	shalt  }
0x75: {  	_ =	shalt  }
0x76: {  	_ =	shalt  }
0x77: {  	_ =	shalt  }
0x78: {  	_ =	shalt  }
0x79: {  	_ =	shalt  }
0x7a: {  	_ =	shalt  }
0x7b: {  	_ =	shalt  }
0x7c: {  	_ =	shalt  }
0x7d: {  	_ =	shalt  }
0x7e: {  	_ =	shalt  }
0x7f: {  	_ =	shalt  }
0x80: {  	_ =	shalt  }
0x81: {  	_ =	shalt  }
0x82: {  	_ =	shalt  }
0x83: {  	_ =	shalt  }
0x84: {  	_ =	shalt  }
0x85: {  	_ =	shalt  }
0x86: {  	_ =	shalt  }
0x87: {  	_ =	shalt  }
.Lfunc_end0:
.L_simem_size_0:
called_computation_lowered:
.L_overlay_start_0:
0x88: {  	s2 =	sld [smem:$0x3FD9]  }
0x89: {  	s3 =	sld [smem:$0x3FFE];
	_ =	sdelay $0x1  }
0x8a: {  	s1 =	srdreg.scid  }
0x8b: {  	s0 =	sand.u32 $0x1, s1  }
0x8c: {  	s17 =	sshll.u32 s0, $0xA;
	s2 =	sadd.s32 s3, s2  }
0x8d: {  	s2 =	sadd.s32 s2, s17  }
0x8e: {  	[smem:$0x3FC3] =	sst s2  }
0x8f: {  	_ = 	snop  }
0x90: {  	s2 =	sld [smem:$0x3FD0];
	(tm) =	ssettm $0x1  }
0x91: {  	s18 =	sld [smem:$0x3FFB];
	_ =	sdelay $0x3  }
0x92: {  	_ =	strace s18  }
0x93: {  	s3 =	sld [smem:$0x3FFC];
	_ =	sdelay $0x3  }
0x94: {  	_ =	strace s3  }
0x95: {  	s3 =	sld [smem:$0x3FFD];
	_ =	sdelay $0x3  }
0x96: {  	_ =	strace s3  }
0x97: {  	_ =	strace $0x8FFFFFFF  }
0x98: {  	s19 =	sld [smem:$0x3FDB];
	_ =	sdelay $0x1  }
0x99: {  	s4 =	simm.s32 $_scs_section_size  }
0x9a: {  	s5 =	simm.s32 $_size__tile_overlayer_lowered;
	s6 =	simm.s32 $_tile_overlayer_lowered  }
0x9b: {  	s22 =	simm.s32 $0x1BFF;
	s21 =	sshll.u32 s6, $0x1;
	s3 =	sadd.s32 s4, s19  }
0x9c: {  	s7 =	simm.s32 $0x0;
	s20 =	sshll.u32 s5, $0x1;
	s5 =	sadd.s32 s21, s3  }
0x9d: {  	[timem:s7], [sflag:s22] =	dma.local [hbm:s5], s20  }
0x9e: {  	_ =	swait.ge [sflag:s22], s20  }
0x9f: {  	s4 =	ssub.s32 $0x0, s20;
	[sflag:s22] =	ssyncset.done $0x0  }
0xa0: {  	[sflag:s22] =	ssyncadd.s32 s4;
	_ =	sdelay $0x1  }
0xa1: {  	s23 =	simm.s32 $0x1B8B  }
0xa2: {  	_ =	swait.ge [sflag:s23], $0x1  }
0xa3: {  	[sflag:s23] =	ssyncset.done $0x0  }
0xa4: {  	s25 =	simm.s32 $0x1B8E;
	s24 =	sld [smem:$0x3FFE];
	[sflag:s23] =	ssyncadd.s32 $0xFFFFFFFF  }
0xa5: {  	s26 =	simm.s32 $execute0_lowered;
	[smem:$0x3FD2] =	sst s25  }
0xa6: {  	s5 =	sshll.u32 s26, $0x1;
	_ =	strace $0x80000046;
	[dreg:$0x1] =	wrdreg $0xFFFFFFFF  }
0xa7: {  	s28 =	simm.s32 $_size_execute0_lowered;
	s3 =	sadd.s32 s3, s5;
	[dreg:$0x0] =	wrdreg $0x0  }
0xa8: {  	s5 =	sshll.u32 s28, $0x1;
	[dreg:$0x2] =	wrdreg s3  }
0xa9: {  	[dreg:$0x3] =	wrdreg s5  }
0xaa: {  	[dreg:$0x4] =	wrdreg $0xC0  }
0xab: {  	_ =	task [dreg:s7], $0x5FFFF  }
0xac: {  	[dreg:$0x1] =	wrdreg $0xFFFFFFFF  }
0xad: {  	[dreg:$0x0] =	wrdreg $0x60  }
0xae: {  	[dreg:$0x2] =	wrdreg s24  }
0xaf: {  	[dreg:$0x3] =	wrdreg s2  }
0xb0: {  	[dreg:$0x4] =	wrdreg $0x9  }
0xb1: {  	_ =	task.clear_ibuf [dreg:s7], $0x5FFFF;
	_ =	strace $0x90000046  }
0xb2: {  	s29 =	simm.s32 $0x9;
	_ =	strace $0x80000048  }
0xb3: {  	_ =	swait.ge [sflag:s29], $0x1  }
0xb4: {  	[sflag:s29] =	ssyncadd.s32 $0xFFFFFFFF  }
0xb5: {  	_ =	strace $0x90000048  }
0xb6: {  	_ =	sfence  }
0xb7: {  	s30 =	sld [smem:$0x0];
	_ =	sdelay $0x2  }
0xb8: {  	s31 =	sshll.u32 s1, $0xD;
	s1 =	sshrl.u32 s1, $0x2  }
0xb9: {  	s3 =	sand.u32 $0x4000, s31;
	s1 =	sadd.s32 s1, s30  }
0xba: {  	s0 =	sor.u32 s3, s0;
	s1 =	sshll.u32 s1, $0x11  }
0xbb: {  	s0 =	sor.u32 s1, s0  }
0xbc: {  	s0 =	sadd.s32 $0x8F2B, s0  }
0xbd: {  	[sflag:s0] =	ssyncadd.remote.s32 $0x1  }
0xbe: {  	_ =	sfence.sel $0xFFFF  }
0xbf: {  	[dreg:$0x0] =	wrdreg $0xFFFFFFFF;
	(pc) =	sbr.abs _section_cstart, $3  }
0xc0: {  	[dreg:$0x1] =	wrdreg $0xFFFFFFFF  }
0xc1: {  	_ =	task.clear_ibuf [dreg:s7], $0x2FFFF;
	_ =	strace $0x9FFFFFFF  }
0xc2: {  	(tm) =	ssettm $0x7FFFFFFF  }
0xc3: {  	_ =	shalt  }
tec
execute0_lowered:
.L_overlay_start_1:
0x0: {  	(tag) =	ssettag $0x1  }
0x1: {  	s1 =	srdreg.scid  }
0x2: {  	s0 =	stileid.u32;
	s5 =	rddreg [dreg:$0x0]  }
0x3: {  	s2 =	rddreg [dreg:$0x1];
	s3 =	simm.s32 $0x0;
	s13 =	simm.s32 $0x4C00  }
0x4: {  	s14 =	simm.s32 $0x8C00;
	s15 =	simm.s32 $0x100;
	s16 =	simm.s32 $0xCC00  }
0x5: {  	s17 =	simm.s32 $0x1;
	s18 =	simm.s32 $0x3;
	s19 =	simm.s32 $0x4  }
0x6: {  	s20 =	simm.s32 $0x0;
	s6 =	sand.u32 $0x1, s1;
	s8 =	smul.u32 $0x130, s0  }
0x7: {  	s28 =	sshll.u32 s0, $0x1;
	s1 =	rddreg [dreg:$0x2];
	s12 =	smul.u32 $0x98000, s0  }
0x8: {  	[smem:$0x7FF] =	sst s3;
	s4 =	sor.u32 s6, s28;
	s10 =	smul.u32 $0x98, s6  }
0x9: {  	_ =	strace $0x80000047;
	s9 =	ssub.s32 $0x2, s6;
	s29 =	smul.u32 $0x4C000, s6  }
0xa: {  	s7 =	smul.u32 $0x980, s4;
	s4 =	sadd.s32 $0x1A200, s5;
	s11 =	sshrl.u32 s9, $0x1  }
0xb: {  	s30 =	sadd.s32 s10, s8;
	s31 =	ssub.s32 s9, s11;
	s11 =	simm.s32 $0x5  }
0xc: {  	s5 =	sadd.s32 s5, s7;
	s10 =	sshll.u32 s30, $0xB;
	s6 =	smax.u32 s31, $0x1  }
0xd: {  	s7 =	sadd.s32 s29, s12;
	s12 =	simm.s32 $0x80;
	s5 =	sadd.s32 $0x7200, s5  }
0xe: {  	s8 =	sadd.s32 $0x301000, s10;
	s9 =	sadd.s32 $0x300000, s10;
	s10 =	sadd.s32 $0x302000, s10  }
.LBB2_1:
0xf: {  	[tilespmem:s3], [sflag:$0x5] =	stream.linear.gather [hbm4b:s5+s3], $0x4C00, $0x38;
	[tilespmem:$0x1CC00] =	vst v63  }
0x10: {  	_ =	swait.ge [sflag:s11], $0x4C00  }
0x11: {  	[sflag:s11] =	ssyncset.done $0x0  }
0x12: {  	[sflag:s11] =	ssyncadd.s32 $0xFFFFB400  }
0x13: {  	[tilespmem:s13], [sflag:$0x1] =	stream.indirect.gather [hbm4b:s4+s12], $0x80, s3, s12, $0xb8;
	[tilespmem:$0x1CC00] =	vst v63  }
0x14: {  	s21 =	simm.s32 $0x1  }
0x15: {  	[tilespmem:s14], [sflag:$0x1] =	stream.indirect.gather [hbm4b:s4+s12], $0x80, s12, s12, $0xb8;
	[tilespmem:$0x1CC00] =	vst v63  }
0x16: {  	s22 =	smov.u32 s2;
	s23 =	simm.s32 $0x0;
	s24 =	simm.s32 $0x0  }
0x17: {  	[tilespmem:s16], [sflag:$0x1] =	stream.indirect.gather [hbm4b:s4+s12], $0x80, s15, s12, $0xb8;
	[tilespmem:$0x1CC00] =	vst v63  }
.LBB2_2:
0x18: {  	_ =	swait.ge [sflag:s17], $0x4000  }
0x19: {  	[sflag:s17] =	ssyncset.done $0x0  }
0x1a: {  	[sflag:s17] =	ssyncadd.s32 $0xFFFFC000  }
0x1b: {  	_ =	swait.ge [sflag:s17], $0x4000  }
0x1c: {  	p0 =	seq.s32 s23, $0x12C00;
	[sflag:s17] =	ssyncset.done $0x0  }
0x1d: {  	s25 =	simm.s32 @!p0 $0x1;
	[sflag:s17] =	ssyncadd.s32 $0xFFFFC000  }
0x1e: {  	_ =	swait.ge @!p0 [sflag:s25], $0x4000  }
0x1f: {  	s26 =	sadd.s32 s22, s7;
	[sflag:s25] =	ssyncset.done @!p0 $0x0  }
0x20: {  	s31 =	sadd.s32 s22, s9;
	s30 =	sadd.s32 $0x300000, s26;
	[sflag:s25] =	ssyncadd.s32 @!p0 $0xFFFFC000  }
0x21: {  	[hbm4b:s30+s3] =	stream.linear.scatter [tilespmem:s13], [sflag:$0x3], $0x4000, $0x38;
	[tilespmem:$0x1CC00] =	vst v63  }
0x22: {  	s26 =	simm.s32 @!p0 $0x0;
	p1 =	seq.s32 @!p0 s23, $0x0;
	s25 =	sadd.s32 $0x800, s31  }
0x23: {  	[hbm4b:s25+s3] =	stream.linear.scatter [tilespmem:s14], [sflag:$0x3], $0x4000, $0x38;
	[tilespmem:$0x1CC00] =	vst v63  }
0x24: {  	s28 =	simm.s32 @!p0 $0xCC00;
	p1 =	por p0, !p1;
	s25 =	sadd.s32 @!p0 s22, s8  }
0x25: {  	[hbm4b:s25+s26] =	stream.linear.scatter @!p0 [tilespmem:s28], [sflag:$0x3], $0x4000, $0x38;
	[tilespmem:$0x1CC00] =	vst v63  }
0x26: {  	_ =	swait.ge @p1 [sflag:s19], $0x4000  }
0x27: {  	[sflag:s19] =	ssyncset.done @p1 $0x0  }
0x28: {  	[sflag:s19] =	ssyncadd.s32 @p1 $0xFFFFC000  }
0x29: {  	_ =	swait.ge @p1 [sflag:s19], $0x4000  }
0x2a: {  	[sflag:s19] =	ssyncset.done @p1 $0x0  }
0x2b: {  	[sflag:s19] =	ssyncadd.s32 @p1 $0xFFFFC000  }
0x2c: {  	_ =	swait.ge @p1 [sflag:s19], $0x4000  }
0x2d: {  	[sflag:s19] =	ssyncset.done @p1 $0x0  }
0x2e: {  	[sflag:s19] =	ssyncadd.s32 @p1 $0xFFFFC000;
	p1 =	sgt.u32 s21, $0x32  }
0x2f: {  	s25 =	sshra.s32 @!p1 s23, $0x2  }
0x30: {  	s28 =	simm.s32 @!p1 $0x80;
	s29 =	simm.s32 @!p1 $0x10C00;
	s26 =	sadd.s32 @!p1 $0x180, s25  }
0x31: {  	[tilespmem:s29], [sflag:$0x2] =	stream.indirect.gather @!p1 [hbm4b:s4+s28], $0x80, s26, s28, $0xb8;
	[tilespmem:$0x1CC00] =	vst v63  }
0x32: {  	s30 =	simm.s32 @!p1 $0x14C00;
	s26 =	sadd.s32 @!p1 $0x200, s25  }
0x33: {  	[tilespmem:s30], [sflag:$0x2] =	stream.indirect.gather @!p1 [hbm4b:s4+s28], $0x80, s26, s28, $0xb8;
	[tilespmem:$0x1CC00] =	vst v63  }
0x34: {  	s25 =	sadd.s32 @!p1 $0x280, s25;
	s26 =	simm.s32 @!p1 $0x18C00  }
0x35: {  	[tilespmem:s26], [sflag:$0x2] =	stream.indirect.gather @!p1 [hbm4b:s4+s28], $0x80, s25, s28, $0xb8;
	[tilespmem:$0x1CC00] =	vst v63  }
0x36: {  	s25 =	simm.s32 @!p1 $0x2  }
0x37: {  	_ =	swait.ge @!p1 [sflag:s25], $0x4000  }
0x38: {  	[sflag:s25] =	ssyncset.done @!p1 $0x0  }
0x39: {  	[sflag:s25] =	ssyncadd.s32 @!p1 $0xFFFFC000  }
0x3a: {  	_ =	swait.ge @!p1 [sflag:s25], $0x4000  }
0x3b: {  	[sflag:s25] =	ssyncset.done @!p1 $0x0  }
0x3c: {  	[sflag:s25] =	ssyncadd.s32 @!p1 $0xFFFFC000  }
0x3d: {  	_ =	swait.ge @!p1 [sflag:s25], $0x4000  }
0x3e: {  	s28 =	sadd.s32 @!p1 s22, s7;
	[sflag:s25] =	ssyncset.done @!p1 $0x0  }
0x3f: {  	[sflag:s25] =	ssyncadd.s32 @!p1 $0xFFFFC000;
	s25 =	sadd.s32 @!p1 $0x301800, s28;
	s28 =	simm.s32 @!p1 $0x0  }
0x40: {  	[hbm4b:s25+s28] =	stream.linear.scatter @!p1 [tilespmem:s29], [sflag:$0x4], $0x4000, $0x38;
	[tilespmem:$0x1CC00] =	vst v63  }
0x41: {  	s25 =	sadd.s32 @!p1 s22, s10  }
0x42: {  	[hbm4b:s25+s28] =	stream.linear.scatter @!p1 [tilespmem:s30], [sflag:$0x4], $0x4000, $0x38;
	[tilespmem:$0x1CC00] =	vst v63  }
0x43: {  	s25 =	sadd.s32 @!p1 s22, s9  }
0x44: {  	s25 =	sadd.s32 @!p1 $0x2800, s25  }
0x45: {  	[hbm4b:s25+s28] =	stream.linear.scatter @!p1 [tilespmem:s26], [sflag:$0x4], $0x4000, $0x38;
	[tilespmem:$0x1CC00] =	vst v63  }
0x46: {  	_ =	swait.ge [sflag:s18], $0x4000  }
0x47: {  	[sflag:s18] =	ssyncset.done $0x0  }
0x48: {  	[sflag:s18] =	ssyncadd.s32 $0xFFFFC000  }
0x49: {  	_ =	swait.ge [sflag:s18], $0x4000  }
0x4a: {  	[sflag:s18] =	ssyncset.done $0x0  }
0x4b: {  	s25 =	simm.s32 @!p0 $0x3;
	[sflag:s18] =	ssyncadd.s32 $0xFFFFC000  }
0x4c: {  	_ =	swait.ge @!p0 [sflag:s25], $0x4000  }
0x4d: {  	[sflag:s25] =	ssyncset.done @!p0 $0x0  }
0x4e: {  	s29 =	simm.s32 @!p0 $0x4C00;
	[sflag:s25] =	ssyncadd.s32 @!p0 $0xFFFFC000;
	s25 =	sshra.s32 @!p0 s23, $0x2  }
0x4f: {  	s28 =	simm.s32 @!p0 $0x80;
	p1 =	sgt.u32 @!p0 s24, $0x17;
	s26 =	sadd.s32 @!p0 $0x300, s25  }
0x50: {  	[tilespmem:s29], [sflag:$0x1] =	stream.indirect.gather @!p0 [hbm4b:s4+s28], $0x80, s26, s28, $0xb8;
	[tilespmem:$0x1CC00] =	vst v63  }
0x51: {  	p1 =	por p1, p0;
	s25 =	sadd.s32 @!p0 $0x380, s25;
	s26 =	simm.s32 @!p0 $0x8C00  }
0x52: {  	[tilespmem:s26], [sflag:$0x1] =	stream.indirect.gather @!p0 [hbm4b:s4+s28], $0x80, s25, s28, $0xb8;
	[tilespmem:$0x1CC00] =	vst v63  }
0x53: {  	s25 =	sshra.s32 @!p1 s23, $0x2;
	s26 =	simm.s32 @!p1 $0x80  }
0x54: {  	s28 =	simm.s32 @!p1 $0xCC00;
	s23 =	sadd.s32 @!p0 $0xC00, s23;
	s25 =	sadd.s32 @!p1 $0x400, s25  }
0x55: {  	[tilespmem:s28], [sflag:$0x1] =	stream.indirect.gather @!p1 [hbm4b:s4+s26], $0x80, s25, s26, $0xb8;
	[tilespmem:$0x1CC00] =	vst v63  }
0x56: {  	p1 =	sne.s32 @!p0 s23, $0x13800  }
0x57: {  	p1 =	por p0, !p1  }
.Ltmp0:
0x58: {  	_ = 	snop;
	(pc) =	sbr.rel @!p1 .LBB2_2-.Ltmp0, $2  }
0x59: {  	_ =	sdelay $0x2  }
0x5a: {  	s21 =	sadd.s32 @!p0 $0x2, s21;
	s22 =	sadd.s32 @!p0 $0x3000, s22;
	s24 =	sadd.s32 @!p0 $0x1, s24  }
0x5b: {  	s20 =	sadd.s32 $0x1, s20  }
0x5c: {  	p0 =	sne.s32 s20, s6  }
.Ltmp1:
0x5d: {  	_ = 	snop;
	(pc) =	sbr.rel @p0 .LBB2_1-.Ltmp1, $1  }
0x5e: {  	_ =	sdelay $0x3  }
0x5f: {  	_ =	sfence.sel $0x180000  }
0x60: {  	[bflag:$0x0] =	sbarrier.arrive $0xFFFF  }
0x61: {  	p0 =	sne.s32 s0, $0x0;
	_ =	strace $0x90000047  }
0x62: {  	s0 =	sadd.s32 @!p0 $0x100000, s1;
	[bflag:$0x2] =	sbarrier.arrive $0xFFFF  }
0x63: {  	[sflag:s0] =	ssyncadd.tile.s32 @!p0 $0x1;
	_ =	shalt  }
.Lfunc_end2:
_tile_overlayer_lowered:
.L_overlay_start_2:
0x64: {  	(tag) =	ssettag $0x2  }
0x65: {  	s0 =	rddreg [dreg:$0x0];
	s2 =	stileid.u32  }
0x66: {  	s1 =	rddreg [dreg:$0x1];
	p0 =	sne.s32 s2, $0x0  }
0x67: {  	s3 =	rddreg [dreg:$0x2];
	[bflag:$0x3] =	sbarrier.arrive $0xFFFF;
	s2 =	simm.s32 @!p0 $0x1C05  }
0x68: {  	[timem:s3], [sflag:s2] =	dma.local @!p0 [hbm:s0], s1  }
0x69: {  	s0 =	simm.s32 @!p0 $0x5  }
0x6a: {  	_ =	swait.ge @!p0 [sflag:s0], s1  }
0x6b: {  	s1 =	ssub.s32 @!p0 $0x0, s1;
	[sflag:s0] =	ssyncset.done @!p0 $0x0  }
0x6c: {  	[sflag:s0] =	ssyncadd.s32 @!p0 s1  }
0x6d: {  	[bflag:$0x3] =	sbarrier.arrive $0xFFFF  }
0x6e: {  	_ =	shalt  }

</sc_bundles>
